<compile_context>
chip_gen: v7x
topology: tpu7x:2x2x1
jax: 0.10.2.dev20260603
libtpu: 0.0.44.dev20260713+nightly
codegen_flags: <defaults>
</compile_context>

<pallas_src>
import dataclasses
import functools

import jax
import jax.numpy as jnp
from jax import lax
from jax.experimental import pallas as pl
from jax.experimental.pallas import tpu as pltpu
from jax.experimental.pallas import tpu_sc as plsc

N = 10000
E = 320000
G = 256
H = 128

NC = 2
NS = 16
NW = NC * NS
PER_W = E // NW
PER_S = E // NS
CH = 80
ROWS_A = 624
TAIL0 = ROWS_A * NS
TAIL = N - TAIL0

_P = jax.lax.Precision.HIGHEST


def _silu(x):
    return x * jax.nn.sigmoid(x)



def _prep_body(nf_ref, wa_ref, wb_ref, p_ref, q_ref):
    x = nf_ref[...]
    p_ref[...] = jnp.dot(x, wa_ref[...], precision=_P)
    q_ref[...] = jnp.dot(x, wb_ref[...], precision=_P)


def _prep(nf, wa, wb):
    bn = 2000
    return pl.pallas_call(
        _prep_body,
        grid=(N // bn,),
        in_specs=[
            pl.BlockSpec((bn, H), lambda i: (i, 0)),
            pl.BlockSpec((H, H), lambda i: (0, 0)),
            pl.BlockSpec((H, H), lambda i: (0, 0)),
        ],
        out_specs=[
            pl.BlockSpec((bn, H), lambda i: (i, 0)),
            pl.BlockSpec((bn, H), lambda i: (i, 0)),
        ],
        out_shape=[
            jax.ShapeDtypeStruct((N, H), jnp.float32),
            jax.ShapeDtypeStruct((N, H), jnp.float32),
        ],
    )(nf, wa, wb)



def _lat_body(lat_ref, wc_ref, b_ref, l_ref):
    a = lat_ref[...]
    out = jnp.zeros((G, H), jnp.float32) + b_ref[...]
    for i in range(3):
        for j in range(3):
            ip = (a[:, 3 * i + 0:3 * i + 1] * a[:, 3 * j + 0:3 * j + 1]
                  + a[:, 3 * i + 1:3 * i + 2] * a[:, 3 * j + 1:3 * j + 2]
                  + a[:, 3 * i + 2:3 * i + 3] * a[:, 3 * j + 2:3 * j + 3])
            out = out + ip * wc_ref[3 * i + j:3 * i + j + 1, :]
    l_ref[...] = out


def _lat(lat9, wc, eb1):
    return pl.pallas_call(
        _lat_body,
        out_shape=jax.ShapeDtypeStruct((G, H), jnp.float32),
    )(lat9, wc, eb1)



CHG = 128
NCHG = PER_W // CHG
GTAIL0 = NCHG * CHG
GTAIL = PER_W - GTAIL0


def _sc_gather_body(p_hbm, q_hbm, src_hbm, dst_hbm,
                    hi_hbm, hj_hbm,
                    isl1, isl2,
                    gb1a, gb2a, gb1b, gb2b,
                    sga, sgb, swa, swb):
    wid = lax.axis_index("s") * NC + lax.axis_index("c")
    base = wid * PER_W

    pltpu.sync_copy(src_hbm.at[pl.ds(base, PER_W)], isl1)
    pltpu.sync_copy(dst_hbm.at[pl.ds(base, PER_W)], isl2)

    bufs = ((gb1a, gb2a), (gb1b, gb2b))
    gsem = (sga, sgb)
    wsem = (swa, swb)

    def fire_gather(c, s):
        off = c * CHG
        b1, b2 = bufs[s]
        pltpu.async_copy(p_hbm.at[isl1.at[pl.ds(off, CHG)]], b1, gsem[s])
        pltpu.async_copy(q_hbm.at[isl2.at[pl.ds(off, CHG)]], b2, gsem[s])

    def drain_gather(c, s):
        off = c * CHG
        b1, b2 = bufs[s]
        pltpu.make_async_copy(p_hbm.at[isl1.at[pl.ds(off, CHG)]], b1, gsem[s]).wait()
        pltpu.make_async_copy(q_hbm.at[isl2.at[pl.ds(off, CHG)]], b2, gsem[s]).wait()

    def fire_wb(c, s):
        g = base + c * CHG
        b1, b2 = bufs[s]
        pltpu.async_copy(b1, hi_hbm.at[pl.ds(g, CHG)], wsem[s])
        pltpu.async_copy(b2, hj_hbm.at[pl.ds(g, CHG)], wsem[s])

    def drain_wb(c, s):
        g = base + c * CHG
        b1, b2 = bufs[s]
        pltpu.make_async_copy(b1, hi_hbm.at[pl.ds(g, CHG)], wsem[s]).wait()
        pltpu.make_async_copy(b2, hj_hbm.at[pl.ds(g, CHG)], wsem[s]).wait()

    def block(c, s):
        drain_gather(c, s)

        @pl.when(c >= 1)
        def _():
            drain_wb(c - 1, 1 - s)

        @pl.when(c + 1 < NCHG)
        def _():
            fire_gather(c + 1, 1 - s)

        fire_wb(c, s)

    fire_gather(0, 0)

    @pl.loop(0, NCHG)
    def _(c):
        @pl.when(c % 2 == 0)
        def _():
            block(c, 0)

        @pl.when(c % 2 == 1)
        def _():
            block(c, 1)

    drain_wb(NCHG - 1, (NCHG - 1) % 2)

    b1, b2 = bufs[0]
    t = GTAIL0
    g = base + t
    pltpu.async_copy(p_hbm.at[isl1.at[pl.ds(t, GTAIL)]], b1.at[pl.ds(0, GTAIL)], sga).wait()
    pltpu.async_copy(q_hbm.at[isl2.at[pl.ds(t, GTAIL)]], b2.at[pl.ds(0, GTAIL)], sga).wait()
    pltpu.sync_copy(b1.at[pl.ds(0, GTAIL)], hi_hbm.at[pl.ds(g, GTAIL)])
    pltpu.sync_copy(b2.at[pl.ds(0, GTAIL)], hj_hbm.at[pl.ds(g, GTAIL)])


def _sc_gather(p, q, src, dst):
    mesh = plsc.VectorSubcoreMesh(core_axis_name="c", subcore_axis_name="s")
    f = pl.kernel(
        _sc_gather_body,
        mesh=mesh,
        out_type=[jax.ShapeDtypeStruct((E, H), jnp.float32)] * 2,
        scratch_types=[
            pltpu.VMEM((PER_W,), jnp.int32),
            pltpu.VMEM((PER_W,), jnp.int32),
            pltpu.VMEM((CHG, H), jnp.float32),
            pltpu.VMEM((CHG, H), jnp.float32),
            pltpu.VMEM((CHG, H), jnp.float32),
            pltpu.VMEM((CHG, H), jnp.float32),
            pltpu.SemaphoreType.DMA,
            pltpu.SemaphoreType.DMA,
            pltpu.SemaphoreType.DMA,
            pltpu.SemaphoreType.DMA,
        ],
    )
    return f(p, q, src, dst)



def _edge_body(hi_ref, hj_ref, e2g_ref, l_ref, fd_ref, wd_ref, w2_ref, b2_ref,
               ef_ref):
    f = fd_ref[...]
    g_col = e2g_ref[0]
    onehot = (lax.broadcasted_iota(jnp.int32, (g_col.shape[0], G), 1)
              == g_col).astype(jnp.float32)
    lp = jnp.dot(onehot, l_ref[...], precision=_P)
    pre = hi_ref[...] + hj_ref[...] + lp
    for k in range(3):
        pre = pre + f[:, k:k + 1] * wd_ref[k:k + 1, :]
    h = _silu(pre)
    ef_ref[...] = _silu(jnp.dot(h, w2_ref[...], precision=_P) + b2_ref[...])


def _edge(hi, hj, e2g3, lfull, fd, wd, w2, b2):
    be = 2000
    return pl.pallas_call(
        _edge_body,
        grid=(E // be,),
        in_specs=[
            pl.BlockSpec((be, H), lambda i: (i, 0)),
            pl.BlockSpec((be, H), lambda i: (i, 0)),
            pl.BlockSpec((1, be, 1), lambda i: (i, 0, 0)),
            pl.BlockSpec((G, H), lambda i: (0, 0)),
            pl.BlockSpec((be, 3), lambda i: (i, 0)),
            pl.BlockSpec((3, H), lambda i: (0, 0)),
            pl.BlockSpec((H, H), lambda i: (0, 0)),
            pl.BlockSpec((1, H), lambda i: (0, 0)),
        ],
        out_specs=pl.BlockSpec((be, H), lambda i: (i, 0)),
        out_shape=jax.ShapeDtypeStruct((E, H), jnp.float32),
    )(hi, hj, e2g3, lfull, fd, wd, w2, b2)



def _sc_scatter_body(ef_hbm, dst_hbm, z_hbm, ones_hbm,
                     sums_hbm, cntb_hbm,
                     efbuf, idxbuf, onesbuf, ssum):
    cid = lax.axis_index("c")
    sid = lax.axis_index("s")
    row0 = sid * ROWS_A
    pltpu.sync_copy(z_hbm.at[pl.ds(row0, ROWS_A)],
                    ssum.at[pl.ds(row0, ROWS_A)])

    @pl.when(sid == 0)
    def _():
        pltpu.sync_copy(z_hbm.at[pl.ds(TAIL0, TAIL)],
                        ssum.at[pl.ds(TAIL0, TAIL)])

    pltpu.sync_copy(ones_hbm, onesbuf)
    plsc.subcore_barrier()

    base = sid * PER_S

    @pl.loop(0, PER_S, step=CH)
    def _(off):
        b = base + off
        pltpu.sync_copy(dst_hbm.at[pl.ds(b, CH)], idxbuf)

        @pl.when(cid == 0)
        def _():
            pltpu.sync_copy(ef_hbm.at[pl.ds(b, CH)], efbuf)
            pltpu.sync_copy(efbuf, ssum.at[idxbuf], add=True)

        @pl.when(cid == 1)
        def _():
            pltpu.sync_copy(onesbuf, ssum.at[idxbuf], add=True)

    plsc.subcore_barrier()

    @pl.when(cid == 0)
    def _():
        pltpu.sync_copy(ssum.at[pl.ds(row0, ROWS_A)],
                        sums_hbm.at[pl.ds(row0, ROWS_A)])

        @pl.when(sid == 0)
        def _():
            pltpu.sync_copy(ssum.at[pl.ds(TAIL0, TAIL)],
                            sums_hbm.at[pl.ds(TAIL0, TAIL)])

    @pl.when(cid == 1)
    def _():
        pltpu.sync_copy(ssum.at[pl.ds(row0, ROWS_A)],
                        cntb_hbm.at[pl.ds(row0, ROWS_A)])

        @pl.when(sid == 0)
        def _():
            pltpu.sync_copy(ssum.at[pl.ds(TAIL0, TAIL)],
                            cntb_hbm.at[pl.ds(TAIL0, TAIL)])


def _sc_scatter(ef, dst, zeros_n, ones_ch):
    mesh = plsc.VectorSubcoreMesh(core_axis_name="c", subcore_axis_name="s")
    f = pl.kernel(
        _sc_scatter_body,
        mesh=mesh,
        out_type=[
            jax.ShapeDtypeStruct((N, H), jnp.float32),
            jax.ShapeDtypeStruct((N, H), jnp.float32),
        ],
        scratch_types=[
            pltpu.VMEM((CH, H), jnp.float32),
            pltpu.VMEM((CH,), jnp.int32),
            pltpu.VMEM((CH, H), jnp.float32),
            pltpu.VMEM_SHARED((N, H), jnp.float32),
        ],
    )
    return f(ef, dst, zeros_n, ones_ch)



def _node_body(nf_ref, sp_ref, cp_ref, wa_ref, wb_ref, b1_ref, w2_ref, b2_ref,
               y_ref):
    nf = nf_ref[...]
    s = sp_ref[...]
    c = cp_ref[:, 0:1]
    agg = s / jnp.maximum(c, 1.0)
    o1 = _silu(jnp.dot(nf, wa_ref[...], precision=_P)
               + jnp.dot(agg, wb_ref[...], precision=_P) + b1_ref[...])
    y_ref[...] = nf + _silu(jnp.dot(o1, w2_ref[...], precision=_P) + b2_ref[...])


def _node(nf, sums, cnts, nw1a, nw1b, nb1, nw2, nb2):
    bn = 2000
    return pl.pallas_call(
        _node_body,
        grid=(N // bn,),
        in_specs=[
            pl.BlockSpec((bn, H), lambda i: (i, 0)),
            pl.BlockSpec((bn, H), lambda i: (i, 0)),
            pl.BlockSpec((bn, H), lambda i: (i, 0)),
            pl.BlockSpec((H, H), lambda i: (0, 0)),
            pl.BlockSpec((H, H), lambda i: (0, 0)),
            pl.BlockSpec((1, H), lambda i: (0, 0)),
            pl.BlockSpec((H, H), lambda i: (0, 0)),
            pl.BlockSpec((1, H), lambda i: (0, 0)),
        ],
        out_specs=pl.BlockSpec((bn, H), lambda i: (i, 0)),
        out_shape=jax.ShapeDtypeStruct((N, H), jnp.float32),
    )(nf, sums, cnts, nw1a, nw1b, nb1, nw2, nb2)


def kernel(node_features, frac_coords, lattices, edge_index, edge2graph,
           frac_diff, ew1, eb1, ew2, eb2, nw1, nb1, nw2, nb2):
    del frac_coords
    lat9 = lattices.reshape(G, 9)
    src = edge_index[0]
    dst = edge_index[1]

    p, q = _prep(node_features, ew1[:H], ew1[H:2 * H])
    lfull = _lat(lat9, ew1[2 * H:2 * H + 9], eb1.reshape(1, H))
    hi, hj = _sc_gather(p, q, src, dst)
    e2g3 = edge2graph.reshape(E // 2000, 2000, 1)
    ef = _edge(hi, hj, e2g3, lfull, frac_diff, ew1[2 * H + 9:], ew2,
               eb2.reshape(1, H))
    sums, cnts = _sc_scatter(ef, dst,
                             jnp.zeros((N, H), jnp.float32),
                             jnp.ones((CH, H), jnp.float32))
    y = _node(node_features, sums, cnts, nw1[:H], nw1[H:], nb1.reshape(1, H),
              nw2, nb2.reshape(1, H))
    return (y, ef)

# --- scband reference (transcript-rebuilt; emitter-appended) ---
"""Pipeline reference for scband-csplayer-27693949125352 (READ-ONLY COPY).

The authoritative reference and input builder live on the scoring server;
editing this copy changes nothing except your own understanding.
"""

import jax, jax.numpy as jnp
import numpy as np

N = 10000
E = 320000
G = 256
H = 128

def _mlp(x, w1, b1, w2, b2):
    h = jax.nn.silu(x @ w1 + b1)
    return jax.nn.silu(h @ w2 + b2)

def setup_inputs(seed: int = 0):
    key = jax.random.key(seed)
    ks = jax.random.split(key, 16)
    node_features = jax.random.normal(ks[0], (N, H), dtype=jnp.float32)
    frac_coords = jax.random.uniform(ks[1], (N, 3), dtype=jnp.float32)
    lattices = jax.random.normal(ks[2], (G, 3, 3), dtype=jnp.float32)
    edge_index = jax.random.randint(ks[3], (2, E), 0, N)
    edge2graph = jnp.sort(jax.random.randint(ks[4], (E,), 0, G))
    frac_diff = jax.random.normal(ks[5], (E, 3), dtype=jnp.float32)
    d_in_e = 2 * H + 9 + 3
    ew1 = jax.random.normal(ks[6], (d_in_e, H), dtype=jnp.float32) / np.sqrt(d_in_e)
    eb1 = jnp.zeros((H,), dtype=jnp.float32)
    ew2 = jax.random.normal(ks[7], (H, H), dtype=jnp.float32) / np.sqrt(H)
    eb2 = jnp.zeros((H,), dtype=jnp.float32)
    nw1 = jax.random.normal(ks[8], (2 * H, H), dtype=jnp.float32) / np.sqrt(2 * H)
    nb1 = jnp.zeros((H,), dtype=jnp.float32)
    nw2 = jax.random.normal(ks[9], (H, H), dtype=jnp.float32) / np.sqrt(H)
    nb2 = jnp.zeros((H,), dtype=jnp.float32)
    return {"node_features": node_features, "frac_coords": frac_coords, "lattices": lattices, "edge_index": edge_index, "edge2graph": edge2graph, "frac_diff": frac_diff, "ew1": ew1, "eb1": eb1, "ew2": ew2, "eb2": eb2, "nw1": nw1, "nb1": nb1, "nw2": nw2, "nb2": nb2}

def reference(node_features, frac_coords, lattices, edge_index, edge2graph, frac_diff, ew1, eb1, ew2, eb2, nw1, nb1, nw2, nb2):
    # edge_model (dis_emb=None so frac_diff used as-is; ip=True so lattice inner products)
    hi = node_features[edge_index[0]]
    hj = node_features[edge_index[1]]
    lattice_ips = lattices @ jnp.swapaxes(lattices, -1, -2)
    lat_flat = lattice_ips.reshape(-1, 9)
    lat_edges = lat_flat[edge2graph]
    edges_input = jnp.concatenate([hi, hj, lat_edges, frac_diff], axis=1)
    edge_features = _mlp(edges_input, ew1, eb1, ew2, eb2)
    # node_model: scatter mean over dst nodes
    dst = edge_index[1]
    n = node_features.shape[0]
    sums = jax.ops.segment_sum(edge_features, dst, num_segments=n)
    cnt = jax.ops.segment_sum(jnp.ones((edge_features.shape[0],), dtype=jnp.float32), dst, num_segments=n)
    agg = sums / jnp.clip(cnt, 1.0)[:, None]
    node_output = _mlp(jnp.concatenate([node_features, agg], axis=1), nw1, nb1, nw2, nb2)
    # ln=False, so residual is off the raw input
    return (node_features + node_output, edge_features)

if __name__ == "__main__":
    import jax
    _d = setup_inputs()
    print(jax.jit(kernel)(*tuple(_d.values())))

</pallas_src>

<mosaic_0001>
#map = affine_map<(d0, d1) -> (0, 0)>
#map1 = affine_map<(d0, d1) -> (0)>
module attributes {stable_mosaic.version = 14 : i64} {
  func.func @_sc_gather_body(%arg0: i32, %arg1: i32, %arg2: memref<10000x128xf32, #tpu.memory_space<hbm>>, %arg3: memref<10000x128xf32, #tpu.memory_space<hbm>>, %arg4: memref<320000xi32, #tpu.memory_space<hbm>>, %arg5: memref<320000xi32, #tpu.memory_space<hbm>>, %arg6: memref<320000x128xf32, #tpu.memory_space<hbm>>, %arg7: memref<320000x128xf32, #tpu.memory_space<hbm>>, %arg8: memref<10000xi32, #tpu.memory_space<vmem>>, %arg9: memref<10000xi32, #tpu.memory_space<vmem>>, %arg10: memref<128x128xf32, #tpu.memory_space<vmem>>, %arg11: memref<128x128xf32, #tpu.memory_space<vmem>>, %arg12: memref<128x128xf32, #tpu.memory_space<vmem>>, %arg13: memref<128x128xf32, #tpu.memory_space<vmem>>, %arg14: memref<!tpu.dma_semaphore, #tpu.memory_space<semaphore_mem>>, %arg15: memref<!tpu.dma_semaphore, #tpu.memory_space<semaphore_mem>>, %arg16: memref<!tpu.dma_semaphore, #tpu.memory_space<semaphore_mem>>, %arg17: memref<!tpu.dma_semaphore, #tpu.memory_space<semaphore_mem>>) attributes {dimension_semantics = [#tpu.dimension_semantics<core_parallel>, #tpu.dimension_semantics<subcore_parallel>], iteration_bounds = array<i64: 2, 16>, scalar_prefetch = 0 : i64, scratch_operands = 10 : i64, tpu.core_type = #tpu.core_type<sc_vector_subcore>, window_params = [{transform_indices = #map}, {transform_indices = #map}, {transform_indices = #map1}, {transform_indices = #map1}, {transform_indices = #map}, {transform_indices = #map}]} {
    %mul3A = arith.constant 2 : i32
    %mul3A_0 = arith.muli %arg1, %mul3A : i32
    %add3A = arith.addi %mul3A_0, %arg0 : i32
    %mul3A_1 = arith.constant 10000 : i32
    %mul3A_2 = arith.muli %add3A, %mul3A_1 : i32
    "tpu.region"() ({
      %run_scoped3A = tpu.sem_alloc : memref<!tpu.dma_semaphore, #tpu.memory_space<semaphore_mem>>
      %dma_start3A_59 = tpu.memref_slice %arg4[%mul3A_2] : memref<320000xi32, #tpu.memory_space<hbm>> -> memref<10000xi32, #tpu.memory_space<hbm>>
      %dma_start3A_60 = tpu.memref_slice %arg4[%mul3A_2] : memref<320000xi32, #tpu.memory_space<hbm>> -> memref<10000xi32, #tpu.memory_space<hbm>>
      tpu.enqueue_dma source(%dma_start3A_60 : memref<10000xi32, #tpu.memory_space<hbm>>) target(%arg8 : memref<10000xi32, #tpu.memory_space<vmem>>) target_semaphore(%run_scoped3A : memref<!tpu.dma_semaphore, #tpu.memory_space<semaphore_mem>>)
      %dma_wait3A_61 = tpu.memref_slice %arg4[%mul3A_2] : memref<320000xi32, #tpu.memory_space<hbm>> -> memref<10000xi32, #tpu.memory_space<hbm>>
      %dma_wait3A_62 = tpu.memref_slice %arg4[%mul3A_2] : memref<320000xi32, #tpu.memory_space<hbm>> -> memref<10000xi32, #tpu.memory_space<hbm>>
      tpu.wait_dma2 semaphore(%run_scoped3A : memref<!tpu.dma_semaphore, #tpu.memory_space<semaphore_mem>>) src(%dma_wait3A_62 : memref<10000xi32, #tpu.memory_space<hbm>>) dst(%arg8 : memref<10000xi32, #tpu.memory_space<vmem>>)
      tpu.yield
    }) : () -> ()
    "tpu.region"() ({
      %run_scoped3A = tpu.sem_alloc : memref<!tpu.dma_semaphore, #tpu.memory_space<semaphore_mem>>
      %dma_start3A_59 = tpu.memref_slice %arg5[%mul3A_2] : memref<320000xi32, #tpu.memory_space<hbm>> -> memref<10000xi32, #tpu.memory_space<hbm>>
      %dma_start3A_60 = tpu.memref_slice %arg5[%mul3A_2] : memref<320000xi32, #tpu.memory_space<hbm>> -> memref<10000xi32, #tpu.memory_space<hbm>>
      tpu.enqueue_dma source(%dma_start3A_60 : memref<10000xi32, #tpu.memory_space<hbm>>) target(%arg9 : memref<10000xi32, #tpu.memory_space<vmem>>) target_semaphore(%run_scoped3A : memref<!tpu.dma_semaphore, #tpu.memory_space<semaphore_mem>>)
      %dma_wait3A_61 = tpu.memref_slice %arg5[%mul3A_2] : memref<320000xi32, #tpu.memory_space<hbm>> -> memref<10000xi32, #tpu.memory_space<hbm>>
      %dma_wait3A_62 = tpu.memref_slice %arg5[%mul3A_2] : memref<320000xi32, #tpu.memory_space<hbm>> -> memref<10000xi32, #tpu.memory_space<hbm>>
      tpu.wait_dma2 semaphore(%run_scoped3A : memref<!tpu.dma_semaphore, #tpu.memory_space<semaphore_mem>>) src(%dma_wait3A_62 : memref<10000xi32, #tpu.memory_space<hbm>>) dst(%arg9 : memref<10000xi32, #tpu.memory_space<vmem>>)
      tpu.yield
    }) : () -> ()
    %dma_start3A = arith.constant 0 : i32
    %dma_start3A_3 = tpu.memref_slice %arg8[%dma_start3A] : memref<10000xi32, #tpu.memory_space<vmem>> -> memref<128xi32, #tpu.memory_space<vmem>>
    %dma_start3A_4 = arith.constant 0 : i32
    %dma_start3A_5 = arith.constant 0 : i32
    %dma_start3A_6 = tpu.memref_slice %arg2[%dma_start3A_4, %dma_start3A_5] : memref<10000x128xf32, #tpu.memory_space<hbm>> -> memref<10000x128xf32, #tpu.memory_space<hbm>>
    tpu.enqueue_indirect_dma source(%dma_start3A_6 : memref<10000x128xf32, #tpu.memory_space<hbm>>) target(%arg10 : memref<128x128xf32, #tpu.memory_space<vmem>>) offsets(%dma_start3A_3 : memref<128xi32, #tpu.memory_space<vmem>>) semaphore(%arg14 : memref<!tpu.dma_semaphore, #tpu.memory_space<semaphore_mem>>)
    %dma_start3A_7 = arith.constant 0 : i32
    %dma_start3A_8 = tpu.memref_slice %arg9[%dma_start3A_7] : memref<10000xi32, #tpu.memory_space<vmem>> -> memref<128xi32, #tpu.memory_space<vmem>>
    %dma_start3A_9 = arith.constant 0 : i32
    %dma_start3A_10 = arith.constant 0 : i32
    %dma_start3A_11 = tpu.memref_slice %arg3[%dma_start3A_9, %dma_start3A_10] : memref<10000x128xf32, #tpu.memory_space<hbm>> -> memref<10000x128xf32, #tpu.memory_space<hbm>>
    tpu.enqueue_indirect_dma source(%dma_start3A_11 : memref<10000x128xf32, #tpu.memory_space<hbm>>) target(%arg11 : memref<128x128xf32, #tpu.memory_space<vmem>>) offsets(%dma_start3A_8 : memref<128xi32, #tpu.memory_space<vmem>>) semaphore(%arg14 : memref<!tpu.dma_semaphore, #tpu.memory_space<semaphore_mem>>)
    %scan3A = arith.constant 0 : i32
    %scan3A_12 = arith.constant 78 : i32
    %scan3A_13 = arith.addi %scan3A, %scan3A_12 : i32
    %scan3A_14 = arith.constant 1 : i32
    scf.for %scan3A_59 = %scan3A to %scan3A_13 step %scan3A_14  : i32 {
      %mul3A_60 = arith.constant 1 : i32
      %mul3A_61 = arith.muli %scan3A_59, %mul3A_60 : i32
      %add3A_62 = arith.constant 0 : i32
      %add3A_63 = arith.addi %add3A_62, %mul3A_61 : i32
      %jit3A = arith.constant 2 : i32
      %eq3A = arith.constant 0 : i32
      %eq3A_64 = arith.cmpi eq, %jit3A, %eq3A : i32
      %jit3A_65 = arith.constant 1 : i32
      %select_n3A = arith.select %eq3A_64, %jit3A_65, %jit3A : i32
      %rem3A = arith.remsi %add3A_63, %select_n3A : i32
      %ne3A = arith.constant 0 : i32
      %ne3A_66 = arith.cmpi ne, %rem3A, %ne3A : i32
      %lt3A = arith.constant 0 : i32
      %lt3A_67 = arith.cmpi slt, %rem3A, %lt3A : i32
      %lt3A_68 = arith.constant 0 : i32
      %lt3A_69 = arith.cmpi slt, %select_n3A, %lt3A_68 : i32
      %ne3A_70 = arith.xori %lt3A_67, %lt3A_69 : i1
      %and3A = arith.andi %ne3A_70, %ne3A_66 : i1
      %add3A_71 = arith.addi %rem3A, %select_n3A : i32
      %select_n3A_72 = arith.select %and3A, %add3A_71, %rem3A : i32
      %eq3A_73 = arith.constant 0 : i32
      %eq3A_74 = arith.cmpi eq, %select_n3A_72, %eq3A_73 : i32
      %convert_element_type3A = arith.extui %eq3A_74 : i1 to i32
      %cond3A = arith.constant 0 : i32
      %cond3A_75 = arith.cmpi ne, %convert_element_type3A, %cond3A : i32
      scf.if %cond3A_75 {
        %mul3A_97 = arith.constant 128 : i32
        %mul3A_98 = arith.muli %add3A_63, %mul3A_97 : i32
        %dma_wait3A_99 = tpu.memref_slice %arg8[%mul3A_98] : memref<10000xi32, #tpu.memory_space<vmem>> -> memref<128xi32, #tpu.memory_space<vmem>>
        %dma_wait3A_100 = arith.constant 0 : i32
        %dma_wait3A_101 = arith.constant 0 : i32
        %dma_wait3A_102 = tpu.memref_slice %arg2[%dma_wait3A_100, %dma_wait3A_101] : memref<10000x128xf32, #tpu.memory_space<hbm>> -> memref<10000x128xf32, #tpu.memory_space<hbm>>
        tpu.wait_indirect_dma semaphore(%arg14 : memref<!tpu.dma_semaphore, #tpu.memory_space<semaphore_mem>>) src(%dma_wait3A_102 : memref<10000x128xf32, #tpu.memory_space<hbm>>) dst(%arg10 : memref<128x128xf32, #tpu.memory_space<vmem>>)
        %dma_wait3A_103 = tpu.memref_slice %arg9[%mul3A_98] : memref<10000xi32, #tpu.memory_space<vmem>> -> memref<128xi32, #tpu.memory_space<vmem>>
        %dma_wait3A_104 = arith.constant 0 : i32
        %dma_wait3A_105 = arith.constant 0 : i32
        %dma_wait3A_106 = tpu.memref_slice %arg3[%dma_wait3A_104, %dma_wait3A_105] : memref<10000x128xf32, #tpu.memory_space<hbm>> -> memref<10000x128xf32, #tpu.memory_space<hbm>>
        tpu.wait_indirect_dma semaphore(%arg14 : memref<!tpu.dma_semaphore, #tpu.memory_space<semaphore_mem>>) src(%dma_wait3A_106 : memref<10000x128xf32, #tpu.memory_space<hbm>>) dst(%arg11 : memref<128x128xf32, #tpu.memory_space<vmem>>)
        %ge3A = arith.constant 1 : i32
        %ge3A_107 = arith.cmpi sge, %add3A_63, %ge3A : i32
        %convert_element_type3A_108 = arith.extui %ge3A_107 : i1 to i32
        %cond3A_109 = arith.constant 0 : i32
        %cond3A_110 = arith.cmpi ne, %convert_element_type3A_108, %cond3A_109 : i32
        scf.if %cond3A_110 {
          %sub3A = arith.constant 1 : i32
          %sub3A_129 = arith.subi %add3A_63, %sub3A : i32
          %mul3A_130 = arith.constant 128 : i32
          %mul3A_131 = arith.muli %sub3A_129, %mul3A_130 : i32
          %add3A_132 = arith.addi %mul3A_2, %mul3A_131 : i32
          %dma_wait3A_133 = arith.constant 0 : i32
          %dma_wait3A_134 = tpu.memref_slice %arg6[%add3A_132, %dma_wait3A_133] : memref<320000x128xf32, #tpu.memory_space<hbm>> -> memref<128x128xf32, #tpu.memory_space<hbm>>
          %dma_wait3A_135 = arith.constant 0 : i32
          %dma_wait3A_136 = tpu.memref_slice %arg6[%add3A_132, %dma_wait3A_135] : memref<320000x128xf32, #tpu.memory_space<hbm>> -> memref<128x128xf32, #tpu.memory_space<hbm>>
          tpu.wait_dma2 semaphore(%arg17 : memref<!tpu.dma_semaphore, #tpu.memory_space<semaphore_mem>>) src(%arg12 : memref<128x128xf32, #tpu.memory_space<vmem>>) dst(%dma_wait3A_136 : memref<128x128xf32, #tpu.memory_space<hbm>>)
          %dma_wait3A_137 = arith.constant 0 : i32
          %dma_wait3A_138 = tpu.memref_slice %arg7[%add3A_132, %dma_wait3A_137] : memref<320000x128xf32, #tpu.memory_space<hbm>> -> memref<128x128xf32, #tpu.memory_space<hbm>>
          %dma_wait3A_139 = arith.constant 0 : i32
          %dma_wait3A_140 = tpu.memref_slice %arg7[%add3A_132, %dma_wait3A_139] : memref<320000x128xf32, #tpu.memory_space<hbm>> -> memref<128x128xf32, #tpu.memory_space<hbm>>
          tpu.wait_dma2 semaphore(%arg17 : memref<!tpu.dma_semaphore, #tpu.memory_space<semaphore_mem>>) src(%arg13 : memref<128x128xf32, #tpu.memory_space<vmem>>) dst(%dma_wait3A_140 : memref<128x128xf32, #tpu.memory_space<hbm>>)
        } else {
        }
        %add3A_111 = arith.constant 1 : i32
        %add3A_112 = arith.addi %add3A_63, %add3A_111 : i32
        %lt3A_113 = arith.constant 78 : i32
        %lt3A_114 = arith.cmpi slt, %add3A_112, %lt3A_113 : i32
        %convert_element_type3A_115 = arith.extui %lt3A_114 : i1 to i32
        %cond3A_116 = arith.constant 0 : i32
        %cond3A_117 = arith.cmpi ne, %convert_element_type3A_115, %cond3A_116 : i32
        scf.if %cond3A_117 {
          %add3A_129 = arith.constant 1 : i32
          %add3A_130 = arith.addi %add3A_63, %add3A_129 : i32
          %mul3A_131 = arith.constant 128 : i32
          %mul3A_132 = arith.muli %add3A_130, %mul3A_131 : i32
          %dma_start3A_133 = tpu.memref_slice %arg8[%mul3A_132] : memref<10000xi32, #tpu.memory_space<vmem>> -> memref<128xi32, #tpu.memory_space<vmem>>
          %dma_start3A_134 = arith.constant 0 : i32
          %dma_start3A_135 = arith.constant 0 : i32
          %dma_start3A_136 = tpu.memref_slice %arg2[%dma_start3A_134, %dma_start3A_135] : memref<10000x128xf32, #tpu.memory_space<hbm>> -> memref<10000x128xf32, #tpu.memory_space<hbm>>
          tpu.enqueue_indirect_dma source(%dma_start3A_136 : memref<10000x128xf32, #tpu.memory_space<hbm>>) target(%arg12 : memref<128x128xf32, #tpu.memory_space<vmem>>) offsets(%dma_start3A_133 : memref<128xi32, #tpu.memory_space<vmem>>) semaphore(%arg15 : memref<!tpu.dma_semaphore, #tpu.memory_space<semaphore_mem>>)
          %dma_start3A_137 = tpu.memref_slice %arg9[%mul3A_132] : memref<10000xi32, #tpu.memory_space<vmem>> -> memref<128xi32, #tpu.memory_space<vmem>>
          %dma_start3A_138 = arith.constant 0 : i32
          %dma_start3A_139 = arith.constant 0 : i32
          %dma_start3A_140 = tpu.memref_slice %arg3[%dma_start3A_138, %dma_start3A_139] : memref<10000x128xf32, #tpu.memory_space<hbm>> -> memref<10000x128xf32, #tpu.memory_space<hbm>>
          tpu.enqueue_indirect_dma source(%dma_start3A_140 : memref<10000x128xf32, #tpu.memory_space<hbm>>) target(%arg13 : memref<128x128xf32, #tpu.memory_space<vmem>>) offsets(%dma_start3A_137 : memref<128xi32, #tpu.memory_space<vmem>>) semaphore(%arg15 : memref<!tpu.dma_semaphore, #tpu.memory_space<semaphore_mem>>)
        } else {
        }
        %mul3A_118 = arith.constant 128 : i32
        %mul3A_119 = arith.muli %add3A_63, %mul3A_118 : i32
        %add3A_120 = arith.addi %mul3A_2, %mul3A_119 : i32
        %dma_start3A_121 = arith.constant 0 : i32
        %dma_start3A_122 = tpu.memref_slice %arg6[%add3A_120, %dma_start3A_121] : memref<320000x128xf32, #tpu.memory_space<hbm>> -> memref<128x128xf32, #tpu.memory_space<hbm>>
        %dma_start3A_123 = arith.constant 0 : i32
        %dma_start3A_124 = tpu.memref_slice %arg6[%add3A_120, %dma_start3A_123] : memref<320000x128xf32, #tpu.memory_space<hbm>> -> memref<128x128xf32, #tpu.memory_space<hbm>>
        tpu.enqueue_dma source(%arg10 : memref<128x128xf32, #tpu.memory_space<vmem>>) target(%dma_start3A_124 : memref<128x128xf32, #tpu.memory_space<hbm>>) target_semaphore(%arg16 : memref<!tpu.dma_semaphore, #tpu.memory_space<semaphore_mem>>)
        %dma_start3A_125 = arith.constant 0 : i32
        %dma_start3A_126 = tpu.memref_slice %arg7[%add3A_120, %dma_start3A_125] : memref<320000x128xf32, #tpu.memory_space<hbm>> -> memref<128x128xf32, #tpu.memory_space<hbm>>
        %dma_start3A_127 = arith.constant 0 : i32
        %dma_start3A_128 = tpu.memref_slice %arg7[%add3A_120, %dma_start3A_127] : memref<320000x128xf32, #tpu.memory_space<hbm>> -> memref<128x128xf32, #tpu.memory_space<hbm>>
        tpu.enqueue_dma source(%arg11 : memref<128x128xf32, #tpu.memory_space<vmem>>) target(%dma_start3A_128 : memref<128x128xf32, #tpu.memory_space<hbm>>) target_semaphore(%arg16 : memref<!tpu.dma_semaphore, #tpu.memory_space<semaphore_mem>>)
      } else {
      }
      %jit3A_76 = arith.constant 2 : i32
      %eq3A_77 = arith.constant 0 : i32
      %eq3A_78 = arith.cmpi eq, %jit3A_76, %eq3A_77 : i32
      %jit3A_79 = arith.constant 1 : i32
      %select_n3A_80 = arith.select %eq3A_78, %jit3A_79, %jit3A_76 : i32
      %rem3A_81 = arith.remsi %add3A_63, %select_n3A_80 : i32
      %ne3A_82 = arith.constant 0 : i32
      %ne3A_83 = arith.cmpi ne, %rem3A_81, %ne3A_82 : i32
      %lt3A_84 = arith.constant 0 : i32
      %lt3A_85 = arith.cmpi slt, %rem3A_81, %lt3A_84 : i32
      %lt3A_86 = arith.constant 0 : i32
      %lt3A_87 = arith.cmpi slt, %select_n3A_80, %lt3A_86 : i32
      %ne3A_88 = arith.xori %lt3A_85, %lt3A_87 : i1
      %and3A_89 = arith.andi %ne3A_88, %ne3A_83 : i1
      %add3A_90 = arith.addi %rem3A_81, %select_n3A_80 : i32
      %select_n3A_91 = arith.select %and3A_89, %add3A_90, %rem3A_81 : i32
      %eq3A_92 = arith.constant 1 : i32
      %eq3A_93 = arith.cmpi eq, %select_n3A_91, %eq3A_92 : i32
      %convert_element_type3A_94 = arith.extui %eq3A_93 : i1 to i32
      %cond3A_95 = arith.constant 0 : i32
      %cond3A_96 = arith.cmpi ne, %convert_element_type3A_94, %cond3A_95 : i32
      scf.if %cond3A_96 {
        %mul3A_97 = arith.constant 128 : i32
        %mul3A_98 = arith.muli %add3A_63, %mul3A_97 : i32
        %dma_wait3A_99 = tpu.memref_slice %arg8[%mul3A_98] : memref<10000xi32, #tpu.memory_space<vmem>> -> memref<128xi32, #tpu.memory_space<vmem>>
        %dma_wait3A_100 = arith.constant 0 : i32
        %dma_wait3A_101 = arith.constant 0 : i32
        %dma_wait3A_102 = tpu.memref_slice %arg2[%dma_wait3A_100, %dma_wait3A_101] : memref<10000x128xf32, #tpu.memory_space<hbm>> -> memref<10000x128xf32, #tpu.memory_space<hbm>>
        tpu.wait_indirect_dma semaphore(%arg15 : memref<!tpu.dma_semaphore, #tpu.memory_space<semaphore_mem>>) src(%dma_wait3A_102 : memref<10000x128xf32, #tpu.memory_space<hbm>>) dst(%arg12 : memref<128x128xf32, #tpu.memory_space<vmem>>)
        %dma_wait3A_103 = tpu.memref_slice %arg9[%mul3A_98] : memref<10000xi32, #tpu.memory_space<vmem>> -> memref<128xi32, #tpu.memory_space<vmem>>
        %dma_wait3A_104 = arith.constant 0 : i32
        %dma_wait3A_105 = arith.constant 0 : i32
        %dma_wait3A_106 = tpu.memref_slice %arg3[%dma_wait3A_104, %dma_wait3A_105] : memref<10000x128xf32, #tpu.memory_space<hbm>> -> memref<10000x128xf32, #tpu.memory_space<hbm>>
        tpu.wait_indirect_dma semaphore(%arg15 : memref<!tpu.dma_semaphore, #tpu.memory_space<semaphore_mem>>) src(%dma_wait3A_106 : memref<10000x128xf32, #tpu.memory_space<hbm>>) dst(%arg13 : memref<128x128xf32, #tpu.memory_space<vmem>>)
        %ge3A = arith.constant 1 : i32
        %ge3A_107 = arith.cmpi sge, %add3A_63, %ge3A : i32
        %convert_element_type3A_108 = arith.extui %ge3A_107 : i1 to i32
        %cond3A_109 = arith.constant 0 : i32
        %cond3A_110 = arith.cmpi ne, %convert_element_type3A_108, %cond3A_109 : i32
        scf.if %cond3A_110 {
          %sub3A = arith.constant 1 : i32
          %sub3A_129 = arith.subi %add3A_63, %sub3A : i32
          %mul3A_130 = arith.constant 128 : i32
          %mul3A_131 = arith.muli %sub3A_129, %mul3A_130 : i32
          %add3A_132 = arith.addi %mul3A_2, %mul3A_131 : i32
          %dma_wait3A_133 = arith.constant 0 : i32
          %dma_wait3A_134 = tpu.memref_slice %arg6[%add3A_132, %dma_wait3A_133] : memref<320000x128xf32, #tpu.memory_space<hbm>> -> memref<128x128xf32, #tpu.memory_space<hbm>>
          %dma_wait3A_135 = arith.constant 0 : i32
          %dma_wait3A_136 = tpu.memref_slice %arg6[%add3A_132, %dma_wait3A_135] : memref<320000x128xf32, #tpu.memory_space<hbm>> -> memref<128x128xf32, #tpu.memory_space<hbm>>
          tpu.wait_dma2 semaphore(%arg16 : memref<!tpu.dma_semaphore, #tpu.memory_space<semaphore_mem>>) src(%arg10 : memref<128x128xf32, #tpu.memory_space<vmem>>) dst(%dma_wait3A_136 : memref<128x128xf32, #tpu.memory_space<hbm>>)
          %dma_wait3A_137 = arith.constant 0 : i32
          %dma_wait3A_138 = tpu.memref_slice %arg7[%add3A_132, %dma_wait3A_137] : memref<320000x128xf32, #tpu.memory_space<hbm>> -> memref<128x128xf32, #tpu.memory_space<hbm>>
          %dma_wait3A_139 = arith.constant 0 : i32
          %dma_wait3A_140 = tpu.memref_slice %arg7[%add3A_132, %dma_wait3A_139] : memref<320000x128xf32, #tpu.memory_space<hbm>> -> memref<128x128xf32, #tpu.memory_space<hbm>>
          tpu.wait_dma2 semaphore(%arg16 : memref<!tpu.dma_semaphore, #tpu.memory_space<semaphore_mem>>) src(%arg11 : memref<128x128xf32, #tpu.memory_space<vmem>>) dst(%dma_wait3A_140 : memref<128x128xf32, #tpu.memory_space<hbm>>)
        } else {
        }
        %add3A_111 = arith.constant 1 : i32
        %add3A_112 = arith.addi %add3A_63, %add3A_111 : i32
        %lt3A_113 = arith.constant 78 : i32
        %lt3A_114 = arith.cmpi slt, %add3A_112, %lt3A_113 : i32
        %convert_element_type3A_115 = arith.extui %lt3A_114 : i1 to i32
        %cond3A_116 = arith.constant 0 : i32
        %cond3A_117 = arith.cmpi ne, %convert_element_type3A_115, %cond3A_116 : i32
        scf.if %cond3A_117 {
          %add3A_129 = arith.constant 1 : i32
          %add3A_130 = arith.addi %add3A_63, %add3A_129 : i32
          %mul3A_131 = arith.constant 128 : i32
          %mul3A_132 = arith.muli %add3A_130, %mul3A_131 : i32
          %dma_start3A_133 = tpu.memref_slice %arg8[%mul3A_132] : memref<10000xi32, #tpu.memory_space<vmem>> -> memref<128xi32, #tpu.memory_space<vmem>>
          %dma_start3A_134 = arith.constant 0 : i32
          %dma_start3A_135 = arith.constant 0 : i32
          %dma_start3A_136 = tpu.memref_slice %arg2[%dma_start3A_134, %dma_start3A_135] : memref<10000x128xf32, #tpu.memory_space<hbm>> -> memref<10000x128xf32, #tpu.memory_space<hbm>>
          tpu.enqueue_indirect_dma source(%dma_start3A_136 : memref<10000x128xf32, #tpu.memory_space<hbm>>) target(%arg10 : memref<128x128xf32, #tpu.memory_space<vmem>>) offsets(%dma_start3A_133 : memref<128xi32, #tpu.memory_space<vmem>>) semaphore(%arg14 : memref<!tpu.dma_semaphore, #tpu.memory_space<semaphore_mem>>)
          %dma_start3A_137 = tpu.memref_slice %arg9[%mul3A_132] : memref<10000xi32, #tpu.memory_space<vmem>> -> memref<128xi32, #tpu.memory_space<vmem>>
          %dma_start3A_138 = arith.constant 0 : i32
          %dma_start3A_139 = arith.constant 0 : i32
          %dma_start3A_140 = tpu.memref_slice %arg3[%dma_start3A_138, %dma_start3A_139] : memref<10000x128xf32, #tpu.memory_space<hbm>> -> memref<10000x128xf32, #tpu.memory_space<hbm>>
          tpu.enqueue_indirect_dma source(%dma_start3A_140 : memref<10000x128xf32, #tpu.memory_space<hbm>>) target(%arg11 : memref<128x128xf32, #tpu.memory_space<vmem>>) offsets(%dma_start3A_137 : memref<128xi32, #tpu.memory_space<vmem>>) semaphore(%arg14 : memref<!tpu.dma_semaphore, #tpu.memory_space<semaphore_mem>>)
        } else {
        }
        %mul3A_118 = arith.constant 128 : i32
        %mul3A_119 = arith.muli %add3A_63, %mul3A_118 : i32
        %add3A_120 = arith.addi %mul3A_2, %mul3A_119 : i32
        %dma_start3A_121 = arith.constant 0 : i32
        %dma_start3A_122 = tpu.memref_slice %arg6[%add3A_120, %dma_start3A_121] : memref<320000x128xf32, #tpu.memory_space<hbm>> -> memref<128x128xf32, #tpu.memory_space<hbm>>
        %dma_start3A_123 = arith.constant 0 : i32
        %dma_start3A_124 = tpu.memref_slice %arg6[%add3A_120, %dma_start3A_123] : memref<320000x128xf32, #tpu.memory_space<hbm>> -> memref<128x128xf32, #tpu.memory_space<hbm>>
        tpu.enqueue_dma source(%arg12 : memref<128x128xf32, #tpu.memory_space<vmem>>) target(%dma_start3A_124 : memref<128x128xf32, #tpu.memory_space<hbm>>) target_semaphore(%arg17 : memref<!tpu.dma_semaphore, #tpu.memory_space<semaphore_mem>>)
        %dma_start3A_125 = arith.constant 0 : i32
        %dma_start3A_126 = tpu.memref_slice %arg7[%add3A_120, %dma_start3A_125] : memref<320000x128xf32, #tpu.memory_space<hbm>> -> memref<128x128xf32, #tpu.memory_space<hbm>>
        %dma_start3A_127 = arith.constant 0 : i32
        %dma_start3A_128 = tpu.memref_slice %arg7[%add3A_120, %dma_start3A_127] : memref<320000x128xf32, #tpu.memory_space<hbm>> -> memref<128x128xf32, #tpu.memory_space<hbm>>
        tpu.enqueue_dma source(%arg13 : memref<128x128xf32, #tpu.memory_space<vmem>>) target(%dma_start3A_128 : memref<128x128xf32, #tpu.memory_space<hbm>>) target_semaphore(%arg17 : memref<!tpu.dma_semaphore, #tpu.memory_space<semaphore_mem>>)
      } else {
      }
    }
    %scan3A_15 = arith.constant 78 : i32
    %add3A_16 = arith.constant 9856 : i32
    %add3A_17 = arith.addi %mul3A_2, %add3A_16 : i32
    %dma_wait3A = arith.constant 0 : i32
    %dma_wait3A_18 = tpu.memref_slice %arg6[%add3A_17, %dma_wait3A] : memref<320000x128xf32, #tpu.memory_space<hbm>> -> memref<128x128xf32, #tpu.memory_space<hbm>>
    %dma_wait3A_19 = arith.constant 0 : i32
    %dma_wait3A_20 = tpu.memref_slice %arg6[%add3A_17, %dma_wait3A_19] : memref<320000x128xf32, #tpu.memory_space<hbm>> -> memref<128x128xf32, #tpu.memory_space<hbm>>
    tpu.wait_dma2 semaphore(%arg17 : memref<!tpu.dma_semaphore, #tpu.memory_space<semaphore_mem>>) src(%arg12 : memref<128x128xf32, #tpu.memory_space<vmem>>) dst(%dma_wait3A_20 : memref<128x128xf32, #tpu.memory_space<hbm>>)
    %dma_wait3A_21 = arith.constant 0 : i32
    %dma_wait3A_22 = tpu.memref_slice %arg7[%add3A_17, %dma_wait3A_21] : memref<320000x128xf32, #tpu.memory_space<hbm>> -> memref<128x128xf32, #tpu.memory_space<hbm>>
    %dma_wait3A_23 = arith.constant 0 : i32
    %dma_wait3A_24 = tpu.memref_slice %arg7[%add3A_17, %dma_wait3A_23] : memref<320000x128xf32, #tpu.memory_space<hbm>> -> memref<128x128xf32, #tpu.memory_space<hbm>>
    tpu.wait_dma2 semaphore(%arg17 : memref<!tpu.dma_semaphore, #tpu.memory_space<semaphore_mem>>) src(%arg13 : memref<128x128xf32, #tpu.memory_space<vmem>>) dst(%dma_wait3A_24 : memref<128x128xf32, #tpu.memory_space<hbm>>)
    %add3A_25 = arith.constant 9984 : i32
    %add3A_26 = arith.addi %mul3A_2, %add3A_25 : i32
    %dma_start3A_27 = arith.constant 0 : i32
    %dma_start3A_28 = arith.constant 0 : i32
    %dma_start3A_29 = tpu.memref_slice %arg10[%dma_start3A_27, %dma_start3A_28] : memref<128x128xf32, #tpu.memory_space<vmem>> -> memref<16x128xf32, #tpu.memory_space<vmem>>
    %dma_start3A_30 = arith.constant 9984 : i32
    %dma_start3A_31 = tpu.memref_slice %arg8[%dma_start3A_30] : memref<10000xi32, #tpu.memory_space<vmem>> -> memref<16xi32, #tpu.memory_space<vmem>>
    %dma_start3A_32 = arith.constant 0 : i32
    %dma_start3A_33 = arith.constant 0 : i32
    %dma_start3A_34 = tpu.memref_slice %arg2[%dma_start3A_32, %dma_start3A_33] : memref<10000x128xf32, #tpu.memory_space<hbm>> -> memref<10000x128xf32, #tpu.memory_space<hbm>>
    tpu.enqueue_indirect_dma source(%dma_start3A_34 : memref<10000x128xf32, #tpu.memory_space<hbm>>) target(%dma_start3A_29 : memref<16x128xf32, #tpu.memory_space<vmem>>) offsets(%dma_start3A_31 : memref<16xi32, #tpu.memory_space<vmem>>) semaphore(%arg14 : memref<!tpu.dma_semaphore, #tpu.memory_space<semaphore_mem>>)
    %dma_wait3A_35 = arith.constant 0 : i32
    %dma_wait3A_36 = arith.constant 0 : i32
    %dma_wait3A_37 = tpu.memref_slice %arg10[%dma_wait3A_35, %dma_wait3A_36] : memref<128x128xf32, #tpu.memory_space<vmem>> -> memref<16x128xf32, #tpu.memory_space<vmem>>
    %dma_wait3A_38 = arith.constant 9984 : i32
    %dma_wait3A_39 = tpu.memref_slice %arg8[%dma_wait3A_38] : memref<10000xi32, #tpu.memory_space<vmem>> -> memref<16xi32, #tpu.memory_space<vmem>>
    %dma_wait3A_40 = arith.constant 0 : i32
    %dma_wait3A_41 = arith.constant 0 : i32
    %dma_wait3A_42 = tpu.memref_slice %arg2[%dma_wait3A_40, %dma_wait3A_41] : memref<10000x128xf32, #tpu.memory_space<hbm>> -> memref<10000x128xf32, #tpu.memory_space<hbm>>
    tpu.wait_indirect_dma semaphore(%arg14 : memref<!tpu.dma_semaphore, #tpu.memory_space<semaphore_mem>>) src(%dma_wait3A_42 : memref<10000x128xf32, #tpu.memory_space<hbm>>) dst(%dma_wait3A_37 : memref<16x128xf32, #tpu.memory_space<vmem>>)
    %dma_start3A_43 = arith.constant 0 : i32
    %dma_start3A_44 = arith.constant 0 : i32
    %dma_start3A_45 = tpu.memref_slice %arg11[%dma_start3A_43, %dma_start3A_44] : memref<128x128xf32, #tpu.memory_space<vmem>> -> memref<16x128xf32, #tpu.memory_space<vmem>>
    %dma_start3A_46 = arith.constant 9984 : i32
    %dma_start3A_47 = tpu.memref_slice %arg9[%dma_start3A_46] : memref<10000xi32, #tpu.memory_space<vmem>> -> memref<16xi32, #tpu.memory_space<vmem>>
    %dma_start3A_48 = arith.constant 0 : i32
    %dma_start3A_49 = arith.constant 0 : i32
    %dma_start3A_50 = tpu.memref_slice %arg3[%dma_start3A_48, %dma_start3A_49] : memref<10000x128xf32, #tpu.memory_space<hbm>> -> memref<10000x128xf32, #tpu.memory_space<hbm>>
    tpu.enqueue_indirect_dma source(%dma_start3A_50 : memref<10000x128xf32, #tpu.memory_space<hbm>>) target(%dma_start3A_45 : memref<16x128xf32, #tpu.memory_space<vmem>>) offsets(%dma_start3A_47 : memref<16xi32, #tpu.memory_space<vmem>>) semaphore(%arg14 : memref<!tpu.dma_semaphore, #tpu.memory_space<semaphore_mem>>)
    %dma_wait3A_51 = arith.constant 0 : i32
    %dma_wait3A_52 = arith.constant 0 : i32
    %dma_wait3A_53 = tpu.memref_slice %arg11[%dma_wait3A_51, %dma_wait3A_52] : memref<128x128xf32, #tpu.memory_space<vmem>> -> memref<16x128xf32, #tpu.memory_space<vmem>>
    %dma_wait3A_54 = arith.constant 9984 : i32
    %dma_wait3A_55 = tpu.memref_slice %arg9[%dma_wait3A_54] : memref<10000xi32, #tpu.memory_space<vmem>> -> memref<16xi32, #tpu.memory_space<vmem>>
    %dma_wait3A_56 = arith.constant 0 : i32
    %dma_wait3A_57 = arith.constant 0 : i32
    %dma_wait3A_58 = tpu.memref_slice %arg3[%dma_wait3A_56, %dma_wait3A_57] : memref<10000x128xf32, #tpu.memory_space<hbm>> -> memref<10000x128xf32, #tpu.memory_space<hbm>>
    tpu.wait_indirect_dma semaphore(%arg14 : memref<!tpu.dma_semaphore, #tpu.memory_space<semaphore_mem>>) src(%dma_wait3A_58 : memref<10000x128xf32, #tpu.memory_space<hbm>>) dst(%dma_wait3A_53 : memref<16x128xf32, #tpu.memory_space<vmem>>)
    "tpu.region"() ({
      %run_scoped3A = tpu.sem_alloc : memref<!tpu.dma_semaphore, #tpu.memory_space<semaphore_mem>>
      %dma_start3A_59 = arith.constant 0 : i32
      %dma_start3A_60 = arith.constant 0 : i32
      %dma_start3A_61 = tpu.memref_slice %arg10[%dma_start3A_59, %dma_start3A_60] : memref<128x128xf32, #tpu.memory_space<vmem>> -> memref<16x128xf32, #tpu.memory_space<vmem>>
      %dma_start3A_62 = arith.constant 0 : i32
      %dma_start3A_63 = tpu.memref_slice %arg6[%add3A_26, %dma_start3A_62] : memref<320000x128xf32, #tpu.memory_space<hbm>> -> memref<16x128xf32, #tpu.memory_space<hbm>>
      %dma_start3A_64 = arith.constant 0 : i32
      %dma_start3A_65 = tpu.memref_slice %arg6[%add3A_26, %dma_start3A_64] : memref<320000x128xf32, #tpu.memory_space<hbm>> -> memref<16x128xf32, #tpu.memory_space<hbm>>
      %dma_start3A_66 = arith.constant 0 : i32
      %dma_start3A_67 = arith.constant 0 : i32
      %dma_start3A_68 = tpu.memref_slice %arg10[%dma_start3A_66, %dma_start3A_67] : memref<128x128xf32, #tpu.memory_space<vmem>> -> memref<16x128xf32, #tpu.memory_space<vmem>>
      tpu.enqueue_dma source(%dma_start3A_68 : memref<16x128xf32, #tpu.memory_space<vmem>>) target(%dma_start3A_65 : memref<16x128xf32, #tpu.memory_space<hbm>>) target_semaphore(%run_scoped3A : memref<!tpu.dma_semaphore, #tpu.memory_space<semaphore_mem>>)
      %dma_wait3A_69 = arith.constant 0 : i32
      %dma_wait3A_70 = arith.constant 0 : i32
      %dma_wait3A_71 = tpu.memref_slice %arg10[%dma_wait3A_69, %dma_wait3A_70] : memref<128x128xf32, #tpu.memory_space<vmem>> -> memref<16x128xf32, #tpu.memory_space<vmem>>
      %dma_wait3A_72 = arith.constant 0 : i32
      %dma_wait3A_73 = tpu.memref_slice %arg6[%add3A_26, %dma_wait3A_72] : memref<320000x128xf32, #tpu.memory_space<hbm>> -> memref<16x128xf32, #tpu.memory_space<hbm>>
      %dma_wait3A_74 = arith.constant 0 : i32
      %dma_wait3A_75 = tpu.memref_slice %arg6[%add3A_26, %dma_wait3A_74] : memref<320000x128xf32, #tpu.memory_space<hbm>> -> memref<16x128xf32, #tpu.memory_space<hbm>>
      %dma_wait3A_76 = arith.constant 0 : i32
      %dma_wait3A_77 = arith.constant 0 : i32
      %dma_wait3A_78 = tpu.memref_slice %arg10[%dma_wait3A_76, %dma_wait3A_77] : memref<128x128xf32, #tpu.memory_space<vmem>> -> memref<16x128xf32, #tpu.memory_space<vmem>>
      tpu.wait_dma2 semaphore(%run_scoped3A : memref<!tpu.dma_semaphore, #tpu.memory_space<semaphore_mem>>) src(%dma_wait3A_78 : memref<16x128xf32, #tpu.memory_space<vmem>>) dst(%dma_wait3A_75 : memref<16x128xf32, #tpu.memory_space<hbm>>)
      tpu.yield
    }) : () -> ()
    "tpu.region"() ({
      %run_scoped3A = tpu.sem_alloc : memref<!tpu.dma_semaphore, #tpu.memory_space<semaphore_mem>>
      %dma_start3A_59 = arith.constant 0 : i32
      %dma_start3A_60 = arith.constant 0 : i32
      %dma_start3A_61 = tpu.memref_slice %arg11[%dma_start3A_59, %dma_start3A_60] : memref<128x128xf32, #tpu.memory_space<vmem>> -> memref<16x128xf32, #tpu.memory_space<vmem>>
      %dma_start3A_62 = arith.constant 0 : i32
      %dma_start3A_63 = tpu.memref_slice %arg7[%add3A_26, %dma_start3A_62] : memref<320000x128xf32, #tpu.memory_space<hbm>> -> memref<16x128xf32, #tpu.memory_space<hbm>>
      %dma_start3A_64 = arith.constant 0 : i32
      %dma_start3A_65 = tpu.memref_slice %arg7[%add3A_26, %dma_start3A_64] : memref<320000x128xf32, #tpu.memory_space<hbm>> -> memref<16x128xf32, #tpu.memory_space<hbm>>
      %dma_start3A_66 = arith.constant 0 : i32
      %dma_start3A_67 = arith.constant 0 : i32
      %dma_start3A_68 = tpu.memref_slice %arg11[%dma_start3A_66, %dma_start3A_67] : memref<128x128xf32, #tpu.memory_space<vmem>> -> memref<16x128xf32, #tpu.memory_space<vmem>>
      tpu.enqueue_dma source(%dma_start3A_68 : memref<16x128xf32, #tpu.memory_space<vmem>>) target(%dma_start3A_65 : memref<16x128xf32, #tpu.memory_space<hbm>>) target_semaphore(%run_scoped3A : memref<!tpu.dma_semaphore, #tpu.memory_space<semaphore_mem>>)
      %dma_wait3A_69 = arith.constant 0 : i32
      %dma_wait3A_70 = arith.constant 0 : i32
      %dma_wait3A_71 = tpu.memref_slice %arg11[%dma_wait3A_69, %dma_wait3A_70] : memref<128x128xf32, #tpu.memory_space<vmem>> -> memref<16x128xf32, #tpu.memory_space<vmem>>
      %dma_wait3A_72 = arith.constant 0 : i32
      %dma_wait3A_73 = tpu.memref_slice %arg7[%add3A_26, %dma_wait3A_72] : memref<320000x128xf32, #tpu.memory_space<hbm>> -> memref<16x128xf32, #tpu.memory_space<hbm>>
      %dma_wait3A_74 = arith.constant 0 : i32
      %dma_wait3A_75 = tpu.memref_slice %arg7[%add3A_26, %dma_wait3A_74] : memref<320000x128xf32, #tpu.memory_space<hbm>> -> memref<16x128xf32, #tpu.memory_space<hbm>>
      %dma_wait3A_76 = arith.constant 0 : i32
      %dma_wait3A_77 = arith.constant 0 : i32
      %dma_wait3A_78 = tpu.memref_slice %arg11[%dma_wait3A_76, %dma_wait3A_77] : memref<128x128xf32, #tpu.memory_space<vmem>> -> memref<16x128xf32, #tpu.memory_space<vmem>>
      tpu.wait_dma2 semaphore(%run_scoped3A : memref<!tpu.dma_semaphore, #tpu.memory_space<semaphore_mem>>) src(%dma_wait3A_78 : memref<16x128xf32, #tpu.memory_space<vmem>>) dst(%dma_wait3A_75 : memref<16x128xf32, #tpu.memory_space<hbm>>)
      tpu.yield
    }) : () -> ()
    return
  }
}

#map = affine_map<(d0, d1) -> (0, 0)>
#map1 = affine_map<(d0, d1) -> (0)>
module attributes {stable_mosaic.version = 14 : i64} {
  func.func @_sc_scatter_body(%arg0: i32, %arg1: i32, %arg2: memref<320000x128xf32, #tpu.memory_space<hbm>>, %arg3: memref<320000xi32, #tpu.memory_space<hbm>>, %arg4: memref<10000x128xf32, #tpu.memory_space<hbm>>, %arg5: memref<80x128xf32, #tpu.memory_space<hbm>>, %arg6: memref<10000x128xf32, #tpu.memory_space<hbm>>, %arg7: memref<10000x128xf32, #tpu.memory_space<hbm>>, %arg8: memref<80x128xf32, #tpu.memory_space<vmem>>, %arg9: memref<80xi32, #tpu.memory_space<vmem>>, %arg10: memref<80x128xf32, #tpu.memory_space<vmem>>, %arg11: memref<10000x128xf32, #tpu.memory_space<vmem_shared>>) attributes {dimension_semantics = [#tpu.dimension_semantics<core_parallel>, #tpu.dimension_semantics<subcore_parallel>], iteration_bounds = array<i64: 2, 16>, scalar_prefetch = 0 : i64, scratch_operands = 4 : i64, tpu.core_type = #tpu.core_type<sc_vector_subcore>, window_params = [{transform_indices = #map}, {transform_indices = #map1}, {transform_indices = #map}, {transform_indices = #map}, {transform_indices = #map}, {transform_indices = #map}]} {
    %mul3A = arith.constant 624 : i32
    %mul3A_0 = arith.muli %arg1, %mul3A : i32
    "tpu.region"() ({
      %run_scoped3A = tpu.sem_alloc : memref<!tpu.dma_semaphore, #tpu.memory_space<semaphore_mem>>
      %dma_start3A = arith.constant 0 : i32
      %dma_start3A_20 = tpu.memref_slice %arg11[%mul3A_0, %dma_start3A] : memref<10000x128xf32, #tpu.memory_space<vmem_shared>> -> memref<624x128xf32, #tpu.memory_space<vmem_shared>>
      %dma_start3A_21 = arith.constant 0 : i32
      %dma_start3A_22 = tpu.memref_slice %arg4[%mul3A_0, %dma_start3A_21] : memref<10000x128xf32, #tpu.memory_space<hbm>> -> memref<624x128xf32, #tpu.memory_space<hbm>>
      tpu.enqueue_dma source(%dma_start3A_22 : memref<624x128xf32, #tpu.memory_space<hbm>>) target(%dma_start3A_20 : memref<624x128xf32, #tpu.memory_space<vmem_shared>>) target_semaphore(%run_scoped3A : memref<!tpu.dma_semaphore, #tpu.memory_space<semaphore_mem>>)
      %dma_wait3A = arith.constant 0 : i32
      %dma_wait3A_23 = tpu.memref_slice %arg11[%mul3A_0, %dma_wait3A] : memref<10000x128xf32, #tpu.memory_space<vmem_shared>> -> memref<624x128xf32, #tpu.memory_space<vmem_shared>>
      %dma_wait3A_24 = arith.constant 0 : i32
      %dma_wait3A_25 = tpu.memref_slice %arg4[%mul3A_0, %dma_wait3A_24] : memref<10000x128xf32, #tpu.memory_space<hbm>> -> memref<624x128xf32, #tpu.memory_space<hbm>>
      tpu.wait_dma2 semaphore(%run_scoped3A : memref<!tpu.dma_semaphore, #tpu.memory_space<semaphore_mem>>) src(%dma_wait3A_25 : memref<624x128xf32, #tpu.memory_space<hbm>>) dst(%dma_wait3A_23 : memref<624x128xf32, #tpu.memory_space<vmem_shared>>)
      tpu.yield
    }) : () -> ()
    %eq3A = arith.constant 0 : i32
    %eq3A_1 = arith.cmpi eq, %arg1, %eq3A : i32
    %convert_element_type3A = arith.extui %eq3A_1 : i1 to i32
    %cond3A = arith.constant 0 : i32
    %cond3A_2 = arith.cmpi ne, %convert_element_type3A, %cond3A : i32
    scf.if %cond3A_2 {
      "tpu.region"() ({
        %run_scoped3A = tpu.sem_alloc : memref<!tpu.dma_semaphore, #tpu.memory_space<semaphore_mem>>
        %dma_start3A = arith.constant 9984 : i32
        %dma_start3A_20 = arith.constant 0 : i32
        %dma_start3A_21 = tpu.memref_slice %arg11[%dma_start3A, %dma_start3A_20] : memref<10000x128xf32, #tpu.memory_space<vmem_shared>> -> memref<16x128xf32, #tpu.memory_space<vmem_shared>>
        %dma_start3A_22 = arith.constant 9984 : i32
        %dma_start3A_23 = arith.constant 0 : i32
        %dma_start3A_24 = tpu.memref_slice %arg4[%dma_start3A_22, %dma_start3A_23] : memref<10000x128xf32, #tpu.memory_space<hbm>> -> memref<16x128xf32, #tpu.memory_space<hbm>>
        tpu.enqueue_dma source(%dma_start3A_24 : memref<16x128xf32, #tpu.memory_space<hbm>>) target(%dma_start3A_21 : memref<16x128xf32, #tpu.memory_space<vmem_shared>>) target_semaphore(%run_scoped3A : memref<!tpu.dma_semaphore, #tpu.memory_space<semaphore_mem>>)
        %dma_wait3A = arith.constant 9984 : i32
        %dma_wait3A_25 = arith.constant 0 : i32
        %dma_wait3A_26 = tpu.memref_slice %arg11[%dma_wait3A, %dma_wait3A_25] : memref<10000x128xf32, #tpu.memory_space<vmem_shared>> -> memref<16x128xf32, #tpu.memory_space<vmem_shared>>
        %dma_wait3A_27 = arith.constant 9984 : i32
        %dma_wait3A_28 = arith.constant 0 : i32
        %dma_wait3A_29 = tpu.memref_slice %arg4[%dma_wait3A_27, %dma_wait3A_28] : memref<10000x128xf32, #tpu.memory_space<hbm>> -> memref<16x128xf32, #tpu.memory_space<hbm>>
        tpu.wait_dma2 semaphore(%run_scoped3A : memref<!tpu.dma_semaphore, #tpu.memory_space<semaphore_mem>>) src(%dma_wait3A_29 : memref<16x128xf32, #tpu.memory_space<hbm>>) dst(%dma_wait3A_26 : memref<16x128xf32, #tpu.memory_space<vmem_shared>>)
        tpu.yield
      }) : () -> ()
    } else {
    }
    "tpu.region"() ({
      %run_scoped3A = tpu.sem_alloc : memref<!tpu.dma_semaphore, #tpu.memory_space<semaphore_mem>>
      tpu.enqueue_dma source(%arg5 : memref<80x128xf32, #tpu.memory_space<hbm>>) target(%arg10 : memref<80x128xf32, #tpu.memory_space<vmem>>) target_semaphore(%run_scoped3A : memref<!tpu.dma_semaphore, #tpu.memory_space<semaphore_mem>>)
      tpu.wait_dma2 semaphore(%run_scoped3A : memref<!tpu.dma_semaphore, #tpu.memory_space<semaphore_mem>>) src(%arg5 : memref<80x128xf32, #tpu.memory_space<hbm>>) dst(%arg10 : memref<80x128xf32, #tpu.memory_space<vmem>>)
      tpu.yield
    }) : () -> ()
    %barrier3A = arith.constant 0 : index
    tpu.barrier barrier_id(%barrier3A)
    %mul3A_3 = arith.constant 20000 : i32
    %mul3A_4 = arith.muli %arg1, %mul3A_3 : i32
    %scan3A = arith.constant 0 : i32
    %scan3A_5 = arith.constant 250 : i32
    %scan3A_6 = arith.addi %scan3A, %scan3A_5 : i32
    %scan3A_7 = arith.constant 1 : i32
    scf.for %scan3A_20 = %scan3A to %scan3A_6 step %scan3A_7  : i32 {
      %mul3A_21 = arith.constant 80 : i32
      %mul3A_22 = arith.muli %scan3A_20, %mul3A_21 : i32
      %add3A = arith.constant 0 : i32
      %add3A_23 = arith.addi %add3A, %mul3A_22 : i32
      %add3A_24 = arith.addi %mul3A_4, %add3A_23 : i32
      "tpu.region"() ({
        %run_scoped3A = tpu.sem_alloc : memref<!tpu.dma_semaphore, #tpu.memory_space<semaphore_mem>>
        %dma_start3A = tpu.memref_slice %arg3[%add3A_24] : memref<320000xi32, #tpu.memory_space<hbm>> -> memref<80xi32, #tpu.memory_space<hbm>>
        %dma_start3A_35 = tpu.memref_slice %arg3[%add3A_24] : memref<320000xi32, #tpu.memory_space<hbm>> -> memref<80xi32, #tpu.memory_space<hbm>>
        tpu.enqueue_dma source(%dma_start3A_35 : memref<80xi32, #tpu.memory_space<hbm>>) target(%arg9 : memref<80xi32, #tpu.memory_space<vmem>>) target_semaphore(%run_scoped3A : memref<!tpu.dma_semaphore, #tpu.memory_space<semaphore_mem>>)
        %dma_wait3A = tpu.memref_slice %arg3[%add3A_24] : memref<320000xi32, #tpu.memory_space<hbm>> -> memref<80xi32, #tpu.memory_space<hbm>>
        %dma_wait3A_36 = tpu.memref_slice %arg3[%add3A_24] : memref<320000xi32, #tpu.memory_space<hbm>> -> memref<80xi32, #tpu.memory_space<hbm>>
        tpu.wait_dma2 semaphore(%run_scoped3A : memref<!tpu.dma_semaphore, #tpu.memory_space<semaphore_mem>>) src(%dma_wait3A_36 : memref<80xi32, #tpu.memory_space<hbm>>) dst(%arg9 : memref<80xi32, #tpu.memory_space<vmem>>)
        tpu.yield
      }) : () -> ()
      %eq3A_25 = arith.constant 0 : i32
      %eq3A_26 = arith.cmpi eq, %arg0, %eq3A_25 : i32
      %convert_element_type3A_27 = arith.extui %eq3A_26 : i1 to i32
      %cond3A_28 = arith.constant 0 : i32
      %cond3A_29 = arith.cmpi ne, %convert_element_type3A_27, %cond3A_28 : i32
      scf.if %cond3A_29 {
        "tpu.region"() ({
          %run_scoped3A = tpu.sem_alloc : memref<!tpu.dma_semaphore, #tpu.memory_space<semaphore_mem>>
          %dma_start3A = arith.constant 0 : i32
          %dma_start3A_35 = tpu.memref_slice %arg2[%add3A_24, %dma_start3A] : memref<320000x128xf32, #tpu.memory_space<hbm>> -> memref<80x128xf32, #tpu.memory_space<hbm>>
          %dma_start3A_36 = arith.constant 0 : i32
          %dma_start3A_37 = tpu.memref_slice %arg2[%add3A_24, %dma_start3A_36] : memref<320000x128xf32, #tpu.memory_space<hbm>> -> memref<80x128xf32, #tpu.memory_space<hbm>>
          tpu.enqueue_dma source(%dma_start3A_37 : memref<80x128xf32, #tpu.memory_space<hbm>>) target(%arg8 : memref<80x128xf32, #tpu.memory_space<vmem>>) target_semaphore(%run_scoped3A : memref<!tpu.dma_semaphore, #tpu.memory_space<semaphore_mem>>)
          %dma_wait3A = arith.constant 0 : i32
          %dma_wait3A_38 = tpu.memref_slice %arg2[%add3A_24, %dma_wait3A] : memref<320000x128xf32, #tpu.memory_space<hbm>> -> memref<80x128xf32, #tpu.memory_space<hbm>>
          %dma_wait3A_39 = arith.constant 0 : i32
          %dma_wait3A_40 = tpu.memref_slice %arg2[%add3A_24, %dma_wait3A_39] : memref<320000x128xf32, #tpu.memory_space<hbm>> -> memref<80x128xf32, #tpu.memory_space<hbm>>
          tpu.wait_dma2 semaphore(%run_scoped3A : memref<!tpu.dma_semaphore, #tpu.memory_space<semaphore_mem>>) src(%dma_wait3A_40 : memref<80x128xf32, #tpu.memory_space<hbm>>) dst(%arg8 : memref<80x128xf32, #tpu.memory_space<vmem>>)
          tpu.yield
        }) : () -> ()
        "tpu.region"() ({
          %run_scoped3A = tpu.sem_alloc : memref<!tpu.dma_semaphore, #tpu.memory_space<semaphore_mem>>
          %dma_start3A = arith.constant 0 : i32
          %dma_start3A_35 = arith.constant 0 : i32
          %dma_start3A_36 = tpu.memref_slice %arg11[%dma_start3A, %dma_start3A_35] : memref<10000x128xf32, #tpu.memory_space<vmem_shared>> -> memref<10000x128xf32, #tpu.memory_space<vmem_shared>>
          tpu.enqueue_indirect_dma source(%arg8 : memref<80x128xf32, #tpu.memory_space<vmem>>) target(%dma_start3A_36 : memref<10000x128xf32, #tpu.memory_space<vmem_shared>>) offsets(%arg9 : memref<80xi32, #tpu.memory_space<vmem>>) semaphore(%run_scoped3A : memref<!tpu.dma_semaphore, #tpu.memory_space<semaphore_mem>>) {add = true}
          %dma_wait3A = arith.constant 0 : i32
          %dma_wait3A_37 = arith.constant 0 : i32
          %dma_wait3A_38 = tpu.memref_slice %arg11[%dma_wait3A, %dma_wait3A_37] : memref<10000x128xf32, #tpu.memory_space<vmem_shared>> -> memref<10000x128xf32, #tpu.memory_space<vmem_shared>>
          tpu.wait_indirect_dma semaphore(%run_scoped3A : memref<!tpu.dma_semaphore, #tpu.memory_space<semaphore_mem>>) src(%arg8 : memref<80x128xf32, #tpu.memory_space<vmem>>) dst(%dma_wait3A_38 : memref<10000x128xf32, #tpu.memory_space<vmem_shared>>)
          tpu.yield
        }) : () -> ()
      } else {
      }
      %eq3A_30 = arith.constant 1 : i32
      %eq3A_31 = arith.cmpi eq, %arg0, %eq3A_30 : i32
      %convert_element_type3A_32 = arith.extui %eq3A_31 : i1 to i32
      %cond3A_33 = arith.constant 0 : i32
      %cond3A_34 = arith.cmpi ne, %convert_element_type3A_32, %cond3A_33 : i32
      scf.if %cond3A_34 {
        "tpu.region"() ({
          %run_scoped3A = tpu.sem_alloc : memref<!tpu.dma_semaphore, #tpu.memory_space<semaphore_mem>>
          %dma_start3A = arith.constant 0 : i32
          %dma_start3A_35 = arith.constant 0 : i32
          %dma_start3A_36 = tpu.memref_slice %arg11[%dma_start3A, %dma_start3A_35] : memref<10000x128xf32, #tpu.memory_space<vmem_shared>> -> memref<10000x128xf32, #tpu.memory_space<vmem_shared>>
          tpu.enqueue_indirect_dma source(%arg10 : memref<80x128xf32, #tpu.memory_space<vmem>>) target(%dma_start3A_36 : memref<10000x128xf32, #tpu.memory_space<vmem_shared>>) offsets(%arg9 : memref<80xi32, #tpu.memory_space<vmem>>) semaphore(%run_scoped3A : memref<!tpu.dma_semaphore, #tpu.memory_space<semaphore_mem>>) {add = true}
          %dma_wait3A = arith.constant 0 : i32
          %dma_wait3A_37 = arith.constant 0 : i32
          %dma_wait3A_38 = tpu.memref_slice %arg11[%dma_wait3A, %dma_wait3A_37] : memref<10000x128xf32, #tpu.memory_space<vmem_shared>> -> memref<10000x128xf32, #tpu.memory_space<vmem_shared>>
          tpu.wait_indirect_dma semaphore(%run_scoped3A : memref<!tpu.dma_semaphore, #tpu.memory_space<semaphore_mem>>) src(%arg10 : memref<80x128xf32, #tpu.memory_space<vmem>>) dst(%dma_wait3A_38 : memref<10000x128xf32, #tpu.memory_space<vmem_shared>>)
          tpu.yield
        }) : () -> ()
      } else {
      }
    }
    %scan3A_8 = arith.constant 250 : i32
    %barrier3A_9 = arith.constant 0 : index
    tpu.barrier barrier_id(%barrier3A_9)
    %eq3A_10 = arith.constant 0 : i32
    %eq3A_11 = arith.cmpi eq, %arg0, %eq3A_10 : i32
    %convert_element_type3A_12 = arith.extui %eq3A_11 : i1 to i32
    %cond3A_13 = arith.constant 0 : i32
    %cond3A_14 = arith.cmpi ne, %convert_element_type3A_12, %cond3A_13 : i32
    scf.if %cond3A_14 {
      "tpu.region"() ({
        %run_scoped3A = tpu.sem_alloc : memref<!tpu.dma_semaphore, #tpu.memory_space<semaphore_mem>>
        %dma_start3A = arith.constant 0 : i32
        %dma_start3A_25 = tpu.memref_slice %arg6[%mul3A_0, %dma_start3A] : memref<10000x128xf32, #tpu.memory_space<hbm>> -> memref<624x128xf32, #tpu.memory_space<hbm>>
        %dma_start3A_26 = arith.constant 0 : i32
        %dma_start3A_27 = tpu.memref_slice %arg11[%mul3A_0, %dma_start3A_26] : memref<10000x128xf32, #tpu.memory_space<vmem_shared>> -> memref<624x128xf32, #tpu.memory_space<vmem_shared>>
        tpu.enqueue_dma source(%dma_start3A_27 : memref<624x128xf32, #tpu.memory_space<vmem_shared>>) target(%dma_start3A_25 : memref<624x128xf32, #tpu.memory_space<hbm>>) target_semaphore(%run_scoped3A : memref<!tpu.dma_semaphore, #tpu.memory_space<semaphore_mem>>)
        %dma_wait3A = arith.constant 0 : i32
        %dma_wait3A_28 = tpu.memref_slice %arg6[%mul3A_0, %dma_wait3A] : memref<10000x128xf32, #tpu.memory_space<hbm>> -> memref<624x128xf32, #tpu.memory_space<hbm>>
        %dma_wait3A_29 = arith.constant 0 : i32
        %dma_wait3A_30 = tpu.memref_slice %arg11[%mul3A_0, %dma_wait3A_29] : memref<10000x128xf32, #tpu.memory_space<vmem_shared>> -> memref<624x128xf32, #tpu.memory_space<vmem_shared>>
        tpu.wait_dma2 semaphore(%run_scoped3A : memref<!tpu.dma_semaphore, #tpu.memory_space<semaphore_mem>>) src(%dma_wait3A_30 : memref<624x128xf32, #tpu.memory_space<vmem_shared>>) dst(%dma_wait3A_28 : memref<624x128xf32, #tpu.memory_space<hbm>>)
        tpu.yield
      }) : () -> ()
      %eq3A_20 = arith.constant 0 : i32
      %eq3A_21 = arith.cmpi eq, %arg1, %eq3A_20 : i32
      %convert_element_type3A_22 = arith.extui %eq3A_21 : i1 to i32
      %cond3A_23 = arith.constant 0 : i32
      %cond3A_24 = arith.cmpi ne, %convert_element_type3A_22, %cond3A_23 : i32
      scf.if %cond3A_24 {
        "tpu.region"() ({
          %run_scoped3A = tpu.sem_alloc : memref<!tpu.dma_semaphore, #tpu.memory_space<semaphore_mem>>
          %dma_start3A = arith.constant 9984 : i32
          %dma_start3A_25 = arith.constant 0 : i32
          %dma_start3A_26 = tpu.memref_slice %arg6[%dma_start3A, %dma_start3A_25] : memref<10000x128xf32, #tpu.memory_space<hbm>> -> memref<16x128xf32, #tpu.memory_space<hbm>>
          %dma_start3A_27 = arith.constant 9984 : i32
          %dma_start3A_28 = arith.constant 0 : i32
          %dma_start3A_29 = tpu.memref_slice %arg11[%dma_start3A_27, %dma_start3A_28] : memref<10000x128xf32, #tpu.memory_space<vmem_shared>> -> memref<16x128xf32, #tpu.memory_space<vmem_shared>>
          tpu.enqueue_dma source(%dma_start3A_29 : memref<16x128xf32, #tpu.memory_space<vmem_shared>>) target(%dma_start3A_26 : memref<16x128xf32, #tpu.memory_space<hbm>>) target_semaphore(%run_scoped3A : memref<!tpu.dma_semaphore, #tpu.memory_space<semaphore_mem>>)
          %dma_wait3A = arith.constant 9984 : i32
          %dma_wait3A_30 = arith.constant 0 : i32
          %dma_wait3A_31 = tpu.memref_slice %arg6[%dma_wait3A, %dma_wait3A_30] : memref<10000x128xf32, #tpu.memory_space<hbm>> -> memref<16x128xf32, #tpu.memory_space<hbm>>
          %dma_wait3A_32 = arith.constant 9984 : i32
          %dma_wait3A_33 = arith.constant 0 : i32
          %dma_wait3A_34 = tpu.memref_slice %arg11[%dma_wait3A_32, %dma_wait3A_33] : memref<10000x128xf32, #tpu.memory_space<vmem_shared>> -> memref<16x128xf32, #tpu.memory_space<vmem_shared>>
          tpu.wait_dma2 semaphore(%run_scoped3A : memref<!tpu.dma_semaphore, #tpu.memory_space<semaphore_mem>>) src(%dma_wait3A_34 : memref<16x128xf32, #tpu.memory_space<vmem_shared>>) dst(%dma_wait3A_31 : memref<16x128xf32, #tpu.memory_space<hbm>>)
          tpu.yield
        }) : () -> ()
      } else {
      }
    } else {
    }
    %eq3A_15 = arith.constant 1 : i32
    %eq3A_16 = arith.cmpi eq, %arg0, %eq3A_15 : i32
    %convert_element_type3A_17 = arith.extui %eq3A_16 : i1 to i32
    %cond3A_18 = arith.constant 0 : i32
    %cond3A_19 = arith.cmpi ne, %convert_element_type3A_17, %cond3A_18 : i32
    scf.if %cond3A_19 {
      "tpu.region"() ({
        %run_scoped3A = tpu.sem_alloc : memref<!tpu.dma_semaphore, #tpu.memory_space<semaphore_mem>>
        %dma_start3A = arith.constant 0 : i32
        %dma_start3A_25 = tpu.memref_slice %arg7[%mul3A_0, %dma_start3A] : memref<10000x128xf32, #tpu.memory_space<hbm>> -> memref<624x128xf32, #tpu.memory_space<hbm>>
        %dma_start3A_26 = arith.constant 0 : i32
        %dma_start3A_27 = tpu.memref_slice %arg11[%mul3A_0, %dma_start3A_26] : memref<10000x128xf32, #tpu.memory_space<vmem_shared>> -> memref<624x128xf32, #tpu.memory_space<vmem_shared>>
        tpu.enqueue_dma source(%dma_start3A_27 : memref<624x128xf32, #tpu.memory_space<vmem_shared>>) target(%dma_start3A_25 : memref<624x128xf32, #tpu.memory_space<hbm>>) target_semaphore(%run_scoped3A : memref<!tpu.dma_semaphore, #tpu.memory_space<semaphore_mem>>)
        %dma_wait3A = arith.constant 0 : i32
        %dma_wait3A_28 = tpu.memref_slice %arg7[%mul3A_0, %dma_wait3A] : memref<10000x128xf32, #tpu.memory_space<hbm>> -> memref<624x128xf32, #tpu.memory_space<hbm>>
        %dma_wait3A_29 = arith.constant 0 : i32
        %dma_wait3A_30 = tpu.memref_slice %arg11[%mul3A_0, %dma_wait3A_29] : memref<10000x128xf32, #tpu.memory_space<vmem_shared>> -> memref<624x128xf32, #tpu.memory_space<vmem_shared>>
        tpu.wait_dma2 semaphore(%run_scoped3A : memref<!tpu.dma_semaphore, #tpu.memory_space<semaphore_mem>>) src(%dma_wait3A_30 : memref<624x128xf32, #tpu.memory_space<vmem_shared>>) dst(%dma_wait3A_28 : memref<624x128xf32, #tpu.memory_space<hbm>>)
        tpu.yield
      }) : () -> ()
      %eq3A_20 = arith.constant 0 : i32
      %eq3A_21 = arith.cmpi eq, %arg1, %eq3A_20 : i32
      %convert_element_type3A_22 = arith.extui %eq3A_21 : i1 to i32
      %cond3A_23 = arith.constant 0 : i32
      %cond3A_24 = arith.cmpi ne, %convert_element_type3A_22, %cond3A_23 : i32
      scf.if %cond3A_24 {
        "tpu.region"() ({
          %run_scoped3A = tpu.sem_alloc : memref<!tpu.dma_semaphore, #tpu.memory_space<semaphore_mem>>
          %dma_start3A = arith.constant 9984 : i32
          %dma_start3A_25 = arith.constant 0 : i32
          %dma_start3A_26 = tpu.memref_slice %arg7[%dma_start3A, %dma_start3A_25] : memref<10000x128xf32, #tpu.memory_space<hbm>> -> memref<16x128xf32, #tpu.memory_space<hbm>>
          %dma_start3A_27 = arith.constant 9984 : i32
          %dma_start3A_28 = arith.constant 0 : i32
          %dma_start3A_29 = tpu.memref_slice %arg11[%dma_start3A_27, %dma_start3A_28] : memref<10000x128xf32, #tpu.memory_space<vmem_shared>> -> memref<16x128xf32, #tpu.memory_space<vmem_shared>>
          tpu.enqueue_dma source(%dma_start3A_29 : memref<16x128xf32, #tpu.memory_space<vmem_shared>>) target(%dma_start3A_26 : memref<16x128xf32, #tpu.memory_space<hbm>>) target_semaphore(%run_scoped3A : memref<!tpu.dma_semaphore, #tpu.memory_space<semaphore_mem>>)
          %dma_wait3A = arith.constant 9984 : i32
          %dma_wait3A_30 = arith.constant 0 : i32
          %dma_wait3A_31 = tpu.memref_slice %arg7[%dma_wait3A, %dma_wait3A_30] : memref<10000x128xf32, #tpu.memory_space<hbm>> -> memref<16x128xf32, #tpu.memory_space<hbm>>
          %dma_wait3A_32 = arith.constant 9984 : i32
          %dma_wait3A_33 = arith.constant 0 : i32
          %dma_wait3A_34 = tpu.memref_slice %arg11[%dma_wait3A_32, %dma_wait3A_33] : memref<10000x128xf32, #tpu.memory_space<vmem_shared>> -> memref<16x128xf32, #tpu.memory_space<vmem_shared>>
          tpu.wait_dma2 semaphore(%run_scoped3A : memref<!tpu.dma_semaphore, #tpu.memory_space<semaphore_mem>>) src(%dma_wait3A_34 : memref<16x128xf32, #tpu.memory_space<vmem_shared>>) dst(%dma_wait3A_31 : memref<16x128xf32, #tpu.memory_space<hbm>>)
          tpu.yield
        }) : () -> ()
      } else {
      }
    } else {
    }
    return
  }
}

module attributes {stable_mosaic.version = 14 : i64} {
  func.func @_prep_body(%arg0: i32, %arg1: memref<2000x128xf32, #tpu.memory_space<vmem>>, %arg2: memref<128x128xf32, #tpu.memory_space<vmem>>, %arg3: memref<128x128xf32, #tpu.memory_space<vmem>>, %arg4: memref<2000x128xf32, #tpu.memory_space<vmem>>, %arg5: memref<2000x128xf32, #tpu.memory_space<vmem>>) attributes {dimension_semantics = [#tpu.dimension_semantics<arbitrary>], iteration_bounds = array<i64: 5>, scalar_prefetch = 0 : i64, scratch_operands = 0 : i64, tpu.core_type = #tpu.core_type<tc>, window_params = [{transform_indices = @transform_0, window_bounds = array<i64: 2000, 128>}, {pipeline_mode = #tpu.pipeline_mode<synchronous>, transform_indices = @transform_1, window_bounds = array<i64: 128, 128>}, {pipeline_mode = #tpu.pipeline_mode<synchronous>, transform_indices = @transform_2, window_bounds = array<i64: 128, 128>}, {transform_indices = @transform_3, window_bounds = array<i64: 2000, 128>}, {transform_indices = @transform_4, window_bounds = array<i64: 2000, 128>}]} {
    %get3A = arith.constant 0 : index
    %get3A_0 = arith.constant 0 : index
    %get3A_1 = vector.load %arg1[%get3A, %get3A_0] : memref<2000x128xf32, #tpu.memory_space<vmem>>, vector<2000x128xf32>
    %get3A_2 = arith.constant 0 : index
    %get3A_3 = arith.constant 0 : index
    %get3A_4 = vector.load %arg2[%get3A_2, %get3A_3] : memref<128x128xf32, #tpu.memory_space<vmem>>, vector<128x128xf32>
    %dot_general3A = arith.constant dense<0.000000e+00> : vector<2000x128xf32>
    %dot_general3A_5 = tpu.matmul %get3A_1, %get3A_4, %dot_general3A {dimension_numbers = #tpu.dot_dimension_numbers<[1], [0], [0], [1], [0, 0, 1, 1], [], []>, precision = #tpu.contract_precision<fp32>, transpose_lhs_hint = false} : vector<2000x128xf32>, vector<128x128xf32>, vector<2000x128xf32> -> vector<2000x128xf32>
    %swap3A = arith.constant 0 : index
    %swap3A_6 = arith.constant 0 : index
    %swap3A_7 = vector.load %arg4[%swap3A, %swap3A_6] : memref<2000x128xf32, #tpu.memory_space<vmem>>, vector<2000x128xf32>
    tpu.vector_store %arg4[%swap3A, %swap3A_6], %dot_general3A_5 {strides = array<i32>} : memref<2000x128xf32, #tpu.memory_space<vmem>>, vector<2000x128xf32>,
    %get3A_8 = arith.constant 0 : index
    %get3A_9 = arith.constant 0 : index
    %get3A_10 = vector.load %arg3[%get3A_8, %get3A_9] : memref<128x128xf32, #tpu.memory_space<vmem>>, vector<128x128xf32>
    %dot_general3A_11 = arith.constant dense<0.000000e+00> : vector<2000x128xf32>
    %dot_general3A_12 = tpu.matmul %get3A_1, %get3A_10, %dot_general3A_11 {dimension_numbers = #tpu.dot_dimension_numbers<[1], [0], [0], [1], [0, 0, 1, 1], [], []>, precision = #tpu.contract_precision<fp32>, transpose_lhs_hint = false} : vector<2000x128xf32>, vector<128x128xf32>, vector<2000x128xf32> -> vector<2000x128xf32>
    %swap3A_13 = arith.constant 0 : index
    %swap3A_14 = arith.constant 0 : index
    %swap3A_15 = vector.load %arg5[%swap3A_13, %swap3A_14] : memref<2000x128xf32, #tpu.memory_space<vmem>>, vector<2000x128xf32>
    tpu.vector_store %arg5[%swap3A_13, %swap3A_14], %dot_general3A_12 {strides = array<i32>} : memref<2000x128xf32, #tpu.memory_space<vmem>>, vector<2000x128xf32>,
    return
  }
  func.func @transform_0(%arg0: i32) -> (i32, i32) {
    %c0_i32 = arith.constant 0 : i32
    %c0_i32_0 = arith.constant 0 : i32
    return %arg0, %c0_i32 : i32, i32
  }
  func.func @transform_1(%arg0: i32) -> (i32, i32) {
    %c0_i32 = arith.constant 0 : i32
    %c0_i32_0 = arith.constant 0 : i32
    %c0_i32_1 = arith.constant 0 : i32
    return %c0_i32, %c0_i32_0 : i32, i32
  }
  func.func @transform_2(%arg0: i32) -> (i32, i32) {
    %c0_i32 = arith.constant 0 : i32
    %c0_i32_0 = arith.constant 0 : i32
    %c0_i32_1 = arith.constant 0 : i32
    return %c0_i32, %c0_i32_0 : i32, i32
  }
  func.func @transform_3(%arg0: i32) -> (i32, i32) {
    %c0_i32 = arith.constant 0 : i32
    %c0_i32_0 = arith.constant 0 : i32
    return %arg0, %c0_i32 : i32, i32
  }
  func.func @transform_4(%arg0: i32) -> (i32, i32) {
    %c0_i32 = arith.constant 0 : i32
    %c0_i32_0 = arith.constant 0 : i32
    return %arg0, %c0_i32 : i32, i32
  }
}

module attributes {stable_mosaic.version = 14 : i64} {
  func.func @_lat_body(%arg0: memref<256x9xf32, #tpu.memory_space<vmem>>, %arg1: memref<9x128xf32, #tpu.memory_space<vmem>>, %arg2: memref<1x128xf32, #tpu.memory_space<vmem>>, %arg3: memref<256x128xf32, #tpu.memory_space<vmem>>) attributes {dimension_semantics = [], scalar_prefetch = 0 : i64, scratch_operands = 0 : i64, tpu.core_type = #tpu.core_type<tc>} {
    %get3A = arith.constant 0 : index
    %get3A_0 = arith.constant 0 : index
    %get3A_1 = vector.load %arg0[%get3A, %get3A_0] : memref<256x9xf32, #tpu.memory_space<vmem>>, vector<256x9xf32>
    %broadcast_in_dim3A = arith.constant 0.000000e+00 : f32
    %broadcast_in_dim3A_2 = vector.broadcast %broadcast_in_dim3A : f32 to vector<256x128xf32>
    %get3A_3 = arith.constant 0 : index
    %get3A_4 = arith.constant 0 : index
    %get3A_5 = vector.load %arg2[%get3A_3, %get3A_4] : memref<1x128xf32, #tpu.memory_space<vmem>>, vector<1x128xf32>
    %add3A = vector.broadcast %get3A_5 : vector<1x128xf32> to vector<256x128xf32>
    %add3A_6 = arith.addf %broadcast_in_dim3A_2, %add3A : vector<256x128xf32>
    %slice3A = vector.extract_strided_slice %get3A_1 {offsets = [0, 0], sizes = [256, 1], strides = [1, 1]} : vector<256x9xf32> to vector<256x1xf32>
    %slice3A_7 = vector.extract_strided_slice %get3A_1 {offsets = [0, 0], sizes = [256, 1], strides = [1, 1]} : vector<256x9xf32> to vector<256x1xf32>
    %mul3A = arith.mulf %slice3A, %slice3A_7 : vector<256x1xf32>
    %slice3A_8 = vector.extract_strided_slice %get3A_1 {offsets = [0, 1], sizes = [256, 1], strides = [1, 1]} : vector<256x9xf32> to vector<256x1xf32>
    %slice3A_9 = vector.extract_strided_slice %get3A_1 {offsets = [0, 1], sizes = [256, 1], strides = [1, 1]} : vector<256x9xf32> to vector<256x1xf32>
    %mul3A_10 = arith.mulf %slice3A_8, %slice3A_9 : vector<256x1xf32>
    %add3A_11 = arith.addf %mul3A, %mul3A_10 : vector<256x1xf32>
    %slice3A_12 = vector.extract_strided_slice %get3A_1 {offsets = [0, 2], sizes = [256, 1], strides = [1, 1]} : vector<256x9xf32> to vector<256x1xf32>
    %slice3A_13 = vector.extract_strided_slice %get3A_1 {offsets = [0, 2], sizes = [256, 1], strides = [1, 1]} : vector<256x9xf32> to vector<256x1xf32>
    %mul3A_14 = arith.mulf %slice3A_12, %slice3A_13 : vector<256x1xf32>
    %add3A_15 = arith.addf %add3A_11, %mul3A_14 : vector<256x1xf32>
    %get3A_16 = arith.constant 0 : index
    %get3A_17 = arith.constant 0 : index
    %get3A_18 = vector.load %arg1[%get3A_16, %get3A_17] : memref<9x128xf32, #tpu.memory_space<vmem>>, vector<1x128xf32>
    %mul3A_19 = vector.broadcast %add3A_15 : vector<256x1xf32> to vector<256x128xf32>
    %mul3A_20 = vector.broadcast %get3A_18 : vector<1x128xf32> to vector<256x128xf32>
    %mul3A_21 = arith.mulf %mul3A_19, %mul3A_20 : vector<256x128xf32>
    %add3A_22 = arith.addf %add3A_6, %mul3A_21 : vector<256x128xf32>
    %slice3A_23 = vector.extract_strided_slice %get3A_1 {offsets = [0, 0], sizes = [256, 1], strides = [1, 1]} : vector<256x9xf32> to vector<256x1xf32>
    %slice3A_24 = vector.extract_strided_slice %get3A_1 {offsets = [0, 3], sizes = [256, 1], strides = [1, 1]} : vector<256x9xf32> to vector<256x1xf32>
    %mul3A_25 = arith.mulf %slice3A_23, %slice3A_24 : vector<256x1xf32>
    %slice3A_26 = vector.extract_strided_slice %get3A_1 {offsets = [0, 1], sizes = [256, 1], strides = [1, 1]} : vector<256x9xf32> to vector<256x1xf32>
    %slice3A_27 = vector.extract_strided_slice %get3A_1 {offsets = [0, 4], sizes = [256, 1], strides = [1, 1]} : vector<256x9xf32> to vector<256x1xf32>
    %mul3A_28 = arith.mulf %slice3A_26, %slice3A_27 : vector<256x1xf32>
    %add3A_29 = arith.addf %mul3A_25, %mul3A_28 : vector<256x1xf32>
    %slice3A_30 = vector.extract_strided_slice %get3A_1 {offsets = [0, 2], sizes = [256, 1], strides = [1, 1]} : vector<256x9xf32> to vector<256x1xf32>
    %slice3A_31 = vector.extract_strided_slice %get3A_1 {offsets = [0, 5], sizes = [256, 1], strides = [1, 1]} : vector<256x9xf32> to vector<256x1xf32>
    %mul3A_32 = arith.mulf %slice3A_30, %slice3A_31 : vector<256x1xf32>
    %add3A_33 = arith.addf %add3A_29, %mul3A_32 : vector<256x1xf32>
    %get3A_34 = arith.constant 1 : index
    %get3A_35 = arith.constant 0 : index
    %get3A_36 = vector.load %arg1[%get3A_34, %get3A_35] : memref<9x128xf32, #tpu.memory_space<vmem>>, vector<1x128xf32>
    %mul3A_37 = vector.broadcast %add3A_33 : vector<256x1xf32> to vector<256x128xf32>
    %mul3A_38 = vector.broadcast %get3A_36 : vector<1x128xf32> to vector<256x128xf32>
    %mul3A_39 = arith.mulf %mul3A_37, %mul3A_38 : vector<256x128xf32>
    %add3A_40 = arith.addf %add3A_22, %mul3A_39 : vector<256x128xf32>
    %slice3A_41 = vector.extract_strided_slice %get3A_1 {offsets = [0, 0], sizes = [256, 1], strides = [1, 1]} : vector<256x9xf32> to vector<256x1xf32>
    %slice3A_42 = vector.extract_strided_slice %get3A_1 {offsets = [0, 6], sizes = [256, 1], strides = [1, 1]} : vector<256x9xf32> to vector<256x1xf32>
    %mul3A_43 = arith.mulf %slice3A_41, %slice3A_42 : vector<256x1xf32>
    %slice3A_44 = vector.extract_strided_slice %get3A_1 {offsets = [0, 1], sizes = [256, 1], strides = [1, 1]} : vector<256x9xf32> to vector<256x1xf32>
    %slice3A_45 = vector.extract_strided_slice %get3A_1 {offsets = [0, 7], sizes = [256, 1], strides = [1, 1]} : vector<256x9xf32> to vector<256x1xf32>
    %mul3A_46 = arith.mulf %slice3A_44, %slice3A_45 : vector<256x1xf32>
    %add3A_47 = arith.addf %mul3A_43, %mul3A_46 : vector<256x1xf32>
    %slice3A_48 = vector.extract_strided_slice %get3A_1 {offsets = [0, 2], sizes = [256, 1], strides = [1, 1]} : vector<256x9xf32> to vector<256x1xf32>
    %slice3A_49 = vector.extract_strided_slice %get3A_1 {offsets = [0, 8], sizes = [256, 1], strides = [1, 1]} : vector<256x9xf32> to vector<256x1xf32>
    %mul3A_50 = arith.mulf %slice3A_48, %slice3A_49 : vector<256x1xf32>
    %add3A_51 = arith.addf %add3A_47, %mul3A_50 : vector<256x1xf32>
    %get3A_52 = arith.constant 2 : index
    %get3A_53 = arith.constant 0 : index
    %get3A_54 = vector.load %arg1[%get3A_52, %get3A_53] : memref<9x128xf32, #tpu.memory_space<vmem>>, vector<1x128xf32>
    %mul3A_55 = vector.broadcast %add3A_51 : vector<256x1xf32> to vector<256x128xf32>
    %mul3A_56 = vector.broadcast %get3A_54 : vector<1x128xf32> to vector<256x128xf32>
    %mul3A_57 = arith.mulf %mul3A_55, %mul3A_56 : vector<256x128xf32>
    %add3A_58 = arith.addf %add3A_40, %mul3A_57 : vector<256x128xf32>
    %slice3A_59 = vector.extract_strided_slice %get3A_1 {offsets = [0, 3], sizes = [256, 1], strides = [1, 1]} : vector<256x9xf32> to vector<256x1xf32>
    %slice3A_60 = vector.extract_strided_slice %get3A_1 {offsets = [0, 0], sizes = [256, 1], strides = [1, 1]} : vector<256x9xf32> to vector<256x1xf32>
    %mul3A_61 = arith.mulf %slice3A_59, %slice3A_60 : vector<256x1xf32>
    %slice3A_62 = vector.extract_strided_slice %get3A_1 {offsets = [0, 4], sizes = [256, 1], strides = [1, 1]} : vector<256x9xf32> to vector<256x1xf32>
    %slice3A_63 = vector.extract_strided_slice %get3A_1 {offsets = [0, 1], sizes = [256, 1], strides = [1, 1]} : vector<256x9xf32> to vector<256x1xf32>
    %mul3A_64 = arith.mulf %slice3A_62, %slice3A_63 : vector<256x1xf32>
    %add3A_65 = arith.addf %mul3A_61, %mul3A_64 : vector<256x1xf32>
    %slice3A_66 = vector.extract_strided_slice %get3A_1 {offsets = [0, 5], sizes = [256, 1], strides = [1, 1]} : vector<256x9xf32> to vector<256x1xf32>
    %slice3A_67 = vector.extract_strided_slice %get3A_1 {offsets = [0, 2], sizes = [256, 1], strides = [1, 1]} : vector<256x9xf32> to vector<256x1xf32>
    %mul3A_68 = arith.mulf %slice3A_66, %slice3A_67 : vector<256x1xf32>
    %add3A_69 = arith.addf %add3A_65, %mul3A_68 : vector<256x1xf32>
    %get3A_70 = arith.constant 3 : index
    %get3A_71 = arith.constant 0 : index
    %get3A_72 = vector.load %arg1[%get3A_70, %get3A_71] : memref<9x128xf32, #tpu.memory_space<vmem>>, vector<1x128xf32>
    %mul3A_73 = vector.broadcast %add3A_69 : vector<256x1xf32> to vector<256x128xf32>
    %mul3A_74 = vector.broadcast %get3A_72 : vector<1x128xf32> to vector<256x128xf32>
    %mul3A_75 = arith.mulf %mul3A_73, %mul3A_74 : vector<256x128xf32>
    %add3A_76 = arith.addf %add3A_58, %mul3A_75 : vector<256x128xf32>
    %slice3A_77 = vector.extract_strided_slice %get3A_1 {offsets = [0, 3], sizes = [256, 1], strides = [1, 1]} : vector<256x9xf32> to vector<256x1xf32>
    %slice3A_78 = vector.extract_strided_slice %get3A_1 {offsets = [0, 3], sizes = [256, 1], strides = [1, 1]} : vector<256x9xf32> to vector<256x1xf32>
    %mul3A_79 = arith.mulf %slice3A_77, %slice3A_78 : vector<256x1xf32>
    %slice3A_80 = vector.extract_strided_slice %get3A_1 {offsets = [0, 4], sizes = [256, 1], strides = [1, 1]} : vector<256x9xf32> to vector<256x1xf32>
    %slice3A_81 = vector.extract_strided_slice %get3A_1 {offsets = [0, 4], sizes = [256, 1], strides = [1, 1]} : vector<256x9xf32> to vector<256x1xf32>
    %mul3A_82 = arith.mulf %slice3A_80, %slice3A_81 : vector<256x1xf32>
    %add3A_83 = arith.addf %mul3A_79, %mul3A_82 : vector<256x1xf32>
    %slice3A_84 = vector.extract_strided_slice %get3A_1 {offsets = [0, 5], sizes = [256, 1], strides = [1, 1]} : vector<256x9xf32> to vector<256x1xf32>
    %slice3A_85 = vector.extract_strided_slice %get3A_1 {offsets = [0, 5], sizes = [256, 1], strides = [1, 1]} : vector<256x9xf32> to vector<256x1xf32>
    %mul3A_86 = arith.mulf %slice3A_84, %slice3A_85 : vector<256x1xf32>
    %add3A_87 = arith.addf %add3A_83, %mul3A_86 : vector<256x1xf32>
    %get3A_88 = arith.constant 4 : index
    %get3A_89 = arith.constant 0 : index
    %get3A_90 = vector.load %arg1[%get3A_88, %get3A_89] : memref<9x128xf32, #tpu.memory_space<vmem>>, vector<1x128xf32>
    %mul3A_91 = vector.broadcast %add3A_87 : vector<256x1xf32> to vector<256x128xf32>
    %mul3A_92 = vector.broadcast %get3A_90 : vector<1x128xf32> to vector<256x128xf32>
    %mul3A_93 = arith.mulf %mul3A_91, %mul3A_92 : vector<256x128xf32>
    %add3A_94 = arith.addf %add3A_76, %mul3A_93 : vector<256x128xf32>
    %slice3A_95 = vector.extract_strided_slice %get3A_1 {offsets = [0, 3], sizes = [256, 1], strides = [1, 1]} : vector<256x9xf32> to vector<256x1xf32>
    %slice3A_96 = vector.extract_strided_slice %get3A_1 {offsets = [0, 6], sizes = [256, 1], strides = [1, 1]} : vector<256x9xf32> to vector<256x1xf32>
    %mul3A_97 = arith.mulf %slice3A_95, %slice3A_96 : vector<256x1xf32>
    %slice3A_98 = vector.extract_strided_slice %get3A_1 {offsets = [0, 4], sizes = [256, 1], strides = [1, 1]} : vector<256x9xf32> to vector<256x1xf32>
    %slice3A_99 = vector.extract_strided_slice %get3A_1 {offsets = [0, 7], sizes = [256, 1], strides = [1, 1]} : vector<256x9xf32> to vector<256x1xf32>
    %mul3A_100 = arith.mulf %slice3A_98, %slice3A_99 : vector<256x1xf32>
    %add3A_101 = arith.addf %mul3A_97, %mul3A_100 : vector<256x1xf32>
    %slice3A_102 = vector.extract_strided_slice %get3A_1 {offsets = [0, 5], sizes = [256, 1], strides = [1, 1]} : vector<256x9xf32> to vector<256x1xf32>
    %slice3A_103 = vector.extract_strided_slice %get3A_1 {offsets = [0, 8], sizes = [256, 1], strides = [1, 1]} : vector<256x9xf32> to vector<256x1xf32>
    %mul3A_104 = arith.mulf %slice3A_102, %slice3A_103 : vector<256x1xf32>
    %add3A_105 = arith.addf %add3A_101, %mul3A_104 : vector<256x1xf32>
    %get3A_106 = arith.constant 5 : index
    %get3A_107 = arith.constant 0 : index
    %get3A_108 = vector.load %arg1[%get3A_106, %get3A_107] : memref<9x128xf32, #tpu.memory_space<vmem>>, vector<1x128xf32>
    %mul3A_109 = vector.broadcast %add3A_105 : vector<256x1xf32> to vector<256x128xf32>
    %mul3A_110 = vector.broadcast %get3A_108 : vector<1x128xf32> to vector<256x128xf32>
    %mul3A_111 = arith.mulf %mul3A_109, %mul3A_110 : vector<256x128xf32>
    %add3A_112 = arith.addf %add3A_94, %mul3A_111 : vector<256x128xf32>
    %slice3A_113 = vector.extract_strided_slice %get3A_1 {offsets = [0, 6], sizes = [256, 1], strides = [1, 1]} : vector<256x9xf32> to vector<256x1xf32>
    %slice3A_114 = vector.extract_strided_slice %get3A_1 {offsets = [0, 0], sizes = [256, 1], strides = [1, 1]} : vector<256x9xf32> to vector<256x1xf32>
    %mul3A_115 = arith.mulf %slice3A_113, %slice3A_114 : vector<256x1xf32>
    %slice3A_116 = vector.extract_strided_slice %get3A_1 {offsets = [0, 7], sizes = [256, 1], strides = [1, 1]} : vector<256x9xf32> to vector<256x1xf32>
    %slice3A_117 = vector.extract_strided_slice %get3A_1 {offsets = [0, 1], sizes = [256, 1], strides = [1, 1]} : vector<256x9xf32> to vector<256x1xf32>
    %mul3A_118 = arith.mulf %slice3A_116, %slice3A_117 : vector<256x1xf32>
    %add3A_119 = arith.addf %mul3A_115, %mul3A_118 : vector<256x1xf32>
    %slice3A_120 = vector.extract_strided_slice %get3A_1 {offsets = [0, 8], sizes = [256, 1], strides = [1, 1]} : vector<256x9xf32> to vector<256x1xf32>
    %slice3A_121 = vector.extract_strided_slice %get3A_1 {offsets = [0, 2], sizes = [256, 1], strides = [1, 1]} : vector<256x9xf32> to vector<256x1xf32>
    %mul3A_122 = arith.mulf %slice3A_120, %slice3A_121 : vector<256x1xf32>
    %add3A_123 = arith.addf %add3A_119, %mul3A_122 : vector<256x1xf32>
    %get3A_124 = arith.constant 6 : index
    %get3A_125 = arith.constant 0 : index
    %get3A_126 = vector.load %arg1[%get3A_124, %get3A_125] : memref<9x128xf32, #tpu.memory_space<vmem>>, vector<1x128xf32>
    %mul3A_127 = vector.broadcast %add3A_123 : vector<256x1xf32> to vector<256x128xf32>
    %mul3A_128 = vector.broadcast %get3A_126 : vector<1x128xf32> to vector<256x128xf32>
    %mul3A_129 = arith.mulf %mul3A_127, %mul3A_128 : vector<256x128xf32>
    %add3A_130 = arith.addf %add3A_112, %mul3A_129 : vector<256x128xf32>
    %slice3A_131 = vector.extract_strided_slice %get3A_1 {offsets = [0, 6], sizes = [256, 1], strides = [1, 1]} : vector<256x9xf32> to vector<256x1xf32>
    %slice3A_132 = vector.extract_strided_slice %get3A_1 {offsets = [0, 3], sizes = [256, 1], strides = [1, 1]} : vector<256x9xf32> to vector<256x1xf32>
    %mul3A_133 = arith.mulf %slice3A_131, %slice3A_132 : vector<256x1xf32>
    %slice3A_134 = vector.extract_strided_slice %get3A_1 {offsets = [0, 7], sizes = [256, 1], strides = [1, 1]} : vector<256x9xf32> to vector<256x1xf32>
    %slice3A_135 = vector.extract_strided_slice %get3A_1 {offsets = [0, 4], sizes = [256, 1], strides = [1, 1]} : vector<256x9xf32> to vector<256x1xf32>
    %mul3A_136 = arith.mulf %slice3A_134, %slice3A_135 : vector<256x1xf32>
    %add3A_137 = arith.addf %mul3A_133, %mul3A_136 : vector<256x1xf32>
    %slice3A_138 = vector.extract_strided_slice %get3A_1 {offsets = [0, 8], sizes = [256, 1], strides = [1, 1]} : vector<256x9xf32> to vector<256x1xf32>
    %slice3A_139 = vector.extract_strided_slice %get3A_1 {offsets = [0, 5], sizes = [256, 1], strides = [1, 1]} : vector<256x9xf32> to vector<256x1xf32>
    %mul3A_140 = arith.mulf %slice3A_138, %slice3A_139 : vector<256x1xf32>
    %add3A_141 = arith.addf %add3A_137, %mul3A_140 : vector<256x1xf32>
    %get3A_142 = arith.constant 7 : index
    %get3A_143 = arith.constant 0 : index
    %get3A_144 = vector.load %arg1[%get3A_142, %get3A_143] : memref<9x128xf32, #tpu.memory_space<vmem>>, vector<1x128xf32>
    %mul3A_145 = vector.broadcast %add3A_141 : vector<256x1xf32> to vector<256x128xf32>
    %mul3A_146 = vector.broadcast %get3A_144 : vector<1x128xf32> to vector<256x128xf32>
    %mul3A_147 = arith.mulf %mul3A_145, %mul3A_146 : vector<256x128xf32>
    %add3A_148 = arith.addf %add3A_130, %mul3A_147 : vector<256x128xf32>
    %slice3A_149 = vector.extract_strided_slice %get3A_1 {offsets = [0, 6], sizes = [256, 1], strides = [1, 1]} : vector<256x9xf32> to vector<256x1xf32>
    %slice3A_150 = vector.extract_strided_slice %get3A_1 {offsets = [0, 6], sizes = [256, 1], strides = [1, 1]} : vector<256x9xf32> to vector<256x1xf32>
    %mul3A_151 = arith.mulf %slice3A_149, %slice3A_150 : vector<256x1xf32>
    %slice3A_152 = vector.extract_strided_slice %get3A_1 {offsets = [0, 7], sizes = [256, 1], strides = [1, 1]} : vector<256x9xf32> to vector<256x1xf32>
    %slice3A_153 = vector.extract_strided_slice %get3A_1 {offsets = [0, 7], sizes = [256, 1], strides = [1, 1]} : vector<256x9xf32> to vector<256x1xf32>
    %mul3A_154 = arith.mulf %slice3A_152, %slice3A_153 : vector<256x1xf32>
    %add3A_155 = arith.addf %mul3A_151, %mul3A_154 : vector<256x1xf32>
    %slice3A_156 = vector.extract_strided_slice %get3A_1 {offsets = [0, 8], sizes = [256, 1], strides = [1, 1]} : vector<256x9xf32> to vector<256x1xf32>
    %slice3A_157 = vector.extract_strided_slice %get3A_1 {offsets = [0, 8], sizes = [256, 1], strides = [1, 1]} : vector<256x9xf32> to vector<256x1xf32>
    %mul3A_158 = arith.mulf %slice3A_156, %slice3A_157 : vector<256x1xf32>
    %add3A_159 = arith.addf %add3A_155, %mul3A_158 : vector<256x1xf32>
    %get3A_160 = arith.constant 8 : index
    %get3A_161 = arith.constant 0 : index
    %get3A_162 = vector.load %arg1[%get3A_160, %get3A_161] : memref<9x128xf32, #tpu.memory_space<vmem>>, vector<1x128xf32>
    %mul3A_163 = vector.broadcast %add3A_159 : vector<256x1xf32> to vector<256x128xf32>
    %mul3A_164 = vector.broadcast %get3A_162 : vector<1x128xf32> to vector<256x128xf32>
    %mul3A_165 = arith.mulf %mul3A_163, %mul3A_164 : vector<256x128xf32>
    %add3A_166 = arith.addf %add3A_148, %mul3A_165 : vector<256x128xf32>
    %swap3A = arith.constant 0 : index
    %swap3A_167 = arith.constant 0 : index
    %swap3A_168 = vector.load %arg3[%swap3A, %swap3A_167] : memref<256x128xf32, #tpu.memory_space<vmem>>, vector<256x128xf32>
    tpu.vector_store %arg3[%swap3A, %swap3A_167], %add3A_166 {strides = array<i32>} : memref<256x128xf32, #tpu.memory_space<vmem>>, vector<256x128xf32>,
    return
  }
}

module attributes {stable_mosaic.version = 14 : i64} {
  func.func @_edge_body(%arg0: i32, %arg1: memref<2000x128xf32, #tpu.memory_space<vmem>>, %arg2: memref<2000x128xf32, #tpu.memory_space<vmem>>, %arg3: memref<1x2000x1xi32, #tpu.memory_space<vmem>>, %arg4: memref<256x128xf32, #tpu.memory_space<vmem>>, %arg5: memref<2000x3xf32, #tpu.memory_space<vmem>>, %arg6: memref<3x128xf32, #tpu.memory_space<vmem>>, %arg7: memref<128x128xf32, #tpu.memory_space<vmem>>, %arg8: memref<1x128xf32, #tpu.memory_space<vmem>>, %arg9: memref<2000x128xf32, #tpu.memory_space<vmem>>) attributes {dimension_semantics = [#tpu.dimension_semantics<arbitrary>], iteration_bounds = array<i64: 160>, scalar_prefetch = 0 : i64, scratch_operands = 0 : i64, tpu.core_type = #tpu.core_type<tc>, window_params = [{transform_indices = @transform_0, window_bounds = array<i64: 2000, 128>}, {transform_indices = @transform_1, window_bounds = array<i64: 2000, 128>}, {transform_indices = @transform_2, window_bounds = array<i64: 1, 2000, 1>}, {pipeline_mode = #tpu.pipeline_mode<synchronous>, transform_indices = @transform_3, window_bounds = array<i64: 256, 128>}, {transform_indices = @transform_4, window_bounds = array<i64: 2000, 3>}, {pipeline_mode = #tpu.pipeline_mode<synchronous>, transform_indices = @transform_5, window_bounds = array<i64: 3, 128>}, {pipeline_mode = #tpu.pipeline_mode<synchronous>, transform_indices = @transform_6, window_bounds = array<i64: 128, 128>}, {pipeline_mode = #tpu.pipeline_mode<synchronous>, transform_indices = @transform_7, window_bounds = array<i64: 1, 128>}, {transform_indices = @transform_8, window_bounds = array<i64: 2000, 128>}]} {
    %get3A = arith.constant 0 : index
    %get3A_0 = arith.constant 0 : index
    %get3A_1 = vector.load %arg5[%get3A, %get3A_0] : memref<2000x3xf32, #tpu.memory_space<vmem>>, vector<2000x3xf32>
    %get3A_2 = arith.constant 0 : index
    %get3A_3 = arith.constant 0 : index
    %get3A_4 = arith.constant 0 : index
    %get3A_5 = vector.load %arg3[%get3A_2, %get3A_3, %get3A_4] : memref<1x2000x1xi32, #tpu.memory_space<vmem>>, vector<1x2000x1xi32>
    %get3A_6 = vector.shape_cast %get3A_5 : vector<1x2000x1xi32> to vector<2000x1xi32>
    %iota3A = tpu.iota {dimensions = array<i32: 1>} : vector<2000x256xi32>
    %eq3A = vector.broadcast %get3A_6 : vector<2000x1xi32> to vector<2000x256xi32>
    %eq3A_7 = arith.cmpi eq, %iota3A, %eq3A : vector<2000x256xi32>
    %convert_element_type3A = arith.extui %eq3A_7 : vector<2000x256xi1> to vector<2000x256xi32>
    %convert_element_type3A_8 = arith.sitofp %convert_element_type3A : vector<2000x256xi32> to vector<2000x256xf32>
    %get3A_9 = arith.constant 0 : index
    %get3A_10 = arith.constant 0 : index
    %get3A_11 = vector.load %arg4[%get3A_9, %get3A_10] : memref<256x128xf32, #tpu.memory_space<vmem>>, vector<256x128xf32>
    %dot_general3A = arith.constant dense<0.000000e+00> : vector<2000x128xf32>
    %dot_general3A_12 = tpu.matmul %convert_element_type3A_8, %get3A_11, %dot_general3A {dimension_numbers = #tpu.dot_dimension_numbers<[1], [0], [0], [1], [0, 0, 1, 1], [], []>, precision = #tpu.contract_precision<fp32>, transpose_lhs_hint = false} : vector<2000x256xf32>, vector<256x128xf32>, vector<2000x128xf32> -> vector<2000x128xf32>
    %get3A_13 = arith.constant 0 : index
    %get3A_14 = arith.constant 0 : index
    %get3A_15 = vector.load %arg1[%get3A_13, %get3A_14] : memref<2000x128xf32, #tpu.memory_space<vmem>>, vector<2000x128xf32>
    %get3A_16 = arith.constant 0 : index
    %get3A_17 = arith.constant 0 : index
    %get3A_18 = vector.load %arg2[%get3A_16, %get3A_17] : memref<2000x128xf32, #tpu.memory_space<vmem>>, vector<2000x128xf32>
    %add3A = arith.addf %get3A_15, %get3A_18 : vector<2000x128xf32>
    %add3A_19 = arith.addf %add3A, %dot_general3A_12 : vector<2000x128xf32>
    %slice3A = vector.extract_strided_slice %get3A_1 {offsets = [0, 0], sizes = [2000, 1], strides = [1, 1]} : vector<2000x3xf32> to vector<2000x1xf32>
    %get3A_20 = arith.constant 0 : index
    %get3A_21 = arith.constant 0 : index
    %get3A_22 = vector.load %arg6[%get3A_20, %get3A_21] : memref<3x128xf32, #tpu.memory_space<vmem>>, vector<1x128xf32>
    %mul3A = vector.broadcast %slice3A : vector<2000x1xf32> to vector<2000x128xf32>
    %mul3A_23 = vector.broadcast %get3A_22 : vector<1x128xf32> to vector<2000x128xf32>
    %mul3A_24 = arith.mulf %mul3A, %mul3A_23 : vector<2000x128xf32>
    %add3A_25 = arith.addf %add3A_19, %mul3A_24 : vector<2000x128xf32>
    %slice3A_26 = vector.extract_strided_slice %get3A_1 {offsets = [0, 1], sizes = [2000, 1], strides = [1, 1]} : vector<2000x3xf32> to vector<2000x1xf32>
    %get3A_27 = arith.constant 1 : index
    %get3A_28 = arith.constant 0 : index
    %get3A_29 = vector.load %arg6[%get3A_27, %get3A_28] : memref<3x128xf32, #tpu.memory_space<vmem>>, vector<1x128xf32>
    %mul3A_30 = vector.broadcast %slice3A_26 : vector<2000x1xf32> to vector<2000x128xf32>
    %mul3A_31 = vector.broadcast %get3A_29 : vector<1x128xf32> to vector<2000x128xf32>
    %mul3A_32 = arith.mulf %mul3A_30, %mul3A_31 : vector<2000x128xf32>
    %add3A_33 = arith.addf %add3A_25, %mul3A_32 : vector<2000x128xf32>
    %slice3A_34 = vector.extract_strided_slice %get3A_1 {offsets = [0, 2], sizes = [2000, 1], strides = [1, 1]} : vector<2000x3xf32> to vector<2000x1xf32>
    %get3A_35 = arith.constant 2 : index
    %get3A_36 = arith.constant 0 : index
    %get3A_37 = vector.load %arg6[%get3A_35, %get3A_36] : memref<3x128xf32, #tpu.memory_space<vmem>>, vector<1x128xf32>
    %mul3A_38 = vector.broadcast %slice3A_34 : vector<2000x1xf32> to vector<2000x128xf32>
    %mul3A_39 = vector.broadcast %get3A_37 : vector<1x128xf32> to vector<2000x128xf32>
    %mul3A_40 = arith.mulf %mul3A_38, %mul3A_39 : vector<2000x128xf32>
    %add3A_41 = arith.addf %add3A_33, %mul3A_40 : vector<2000x128xf32>
    %logistic3A = arith.negf %add3A_41 : vector<2000x128xf32>
    %logistic3A_42 = math.exp %logistic3A : vector<2000x128xf32>
    %logistic3A_43 = arith.constant 1.000000e+00 : f32
    %logistic3A_44 = vector.broadcast %logistic3A_43 : f32 to vector<2000x128xf32>
    %logistic3A_45 = arith.addf %logistic3A_44, %logistic3A_42 : vector<2000x128xf32>
    %logistic3A_46 = arith.divf %logistic3A_44, %logistic3A_45 : vector<2000x128xf32>
    %mul3A_47 = arith.mulf %add3A_41, %logistic3A_46 : vector<2000x128xf32>
    %get3A_48 = arith.constant 0 : index
    %get3A_49 = arith.constant 0 : index
    %get3A_50 = vector.load %arg7[%get3A_48, %get3A_49] : memref<128x128xf32, #tpu.memory_space<vmem>>, vector<128x128xf32>
    %dot_general3A_51 = arith.constant dense<0.000000e+00> : vector<2000x128xf32>
    %dot_general3A_52 = tpu.matmul %mul3A_47, %get3A_50, %dot_general3A_51 {dimension_numbers = #tpu.dot_dimension_numbers<[1], [0], [0], [1], [0, 0, 1, 1], [], []>, precision = #tpu.contract_precision<fp32>, transpose_lhs_hint = false} : vector<2000x128xf32>, vector<128x128xf32>, vector<2000x128xf32> -> vector<2000x128xf32>
    %get3A_53 = arith.constant 0 : index
    %get3A_54 = arith.constant 0 : index
    %get3A_55 = vector.load %arg8[%get3A_53, %get3A_54] : memref<1x128xf32, #tpu.memory_space<vmem>>, vector<1x128xf32>
    %add3A_56 = vector.broadcast %get3A_55 : vector<1x128xf32> to vector<2000x128xf32>
    %add3A_57 = arith.addf %dot_general3A_52, %add3A_56 : vector<2000x128xf32>
    %logistic3A_58 = arith.negf %add3A_57 : vector<2000x128xf32>
    %logistic3A_59 = math.exp %logistic3A_58 : vector<2000x128xf32>
    %logistic3A_60 = arith.constant 1.000000e+00 : f32
    %logistic3A_61 = vector.broadcast %logistic3A_60 : f32 to vector<2000x128xf32>
    %logistic3A_62 = arith.addf %logistic3A_61, %logistic3A_59 : vector<2000x128xf32>
    %logistic3A_63 = arith.divf %logistic3A_61, %logistic3A_62 : vector<2000x128xf32>
    %mul3A_64 = arith.mulf %add3A_57, %logistic3A_63 : vector<2000x128xf32>
    %swap3A = arith.constant 0 : index
    %swap3A_65 = arith.constant 0 : index
    %swap3A_66 = vector.load %arg9[%swap3A, %swap3A_65] : memref<2000x128xf32, #tpu.memory_space<vmem>>, vector<2000x128xf32>
    tpu.vector_store %arg9[%swap3A, %swap3A_65], %mul3A_64 {strides = array<i32>} : memref<2000x128xf32, #tpu.memory_space<vmem>>, vector<2000x128xf32>,
    return
  }
  func.func @transform_0(%arg0: i32) -> (i32, i32) {
    %c0_i32 = arith.constant 0 : i32
    %c0_i32_0 = arith.constant 0 : i32
    return %arg0, %c0_i32 : i32, i32
  }
  func.func @transform_1(%arg0: i32) -> (i32, i32) {
    %c0_i32 = arith.constant 0 : i32
    %c0_i32_0 = arith.constant 0 : i32
    return %arg0, %c0_i32 : i32, i32
  }
  func.func @transform_2(%arg0: i32) -> (i32, i32, i32) {
    %c0_i32 = arith.constant 0 : i32
    %c0_i32_0 = arith.constant 0 : i32
    %c0_i32_1 = arith.constant 0 : i32
    return %arg0, %c0_i32, %c0_i32_0 : i32, i32, i32
  }
  func.func @transform_3(%arg0: i32) -> (i32, i32) {
    %c0_i32 = arith.constant 0 : i32
    %c0_i32_0 = arith.constant 0 : i32
    %c0_i32_1 = arith.constant 0 : i32
    return %c0_i32, %c0_i32_0 : i32, i32
  }
  func.func @transform_4(%arg0: i32) -> (i32, i32) {
    %c0_i32 = arith.constant 0 : i32
    %c0_i32_0 = arith.constant 0 : i32
    return %arg0, %c0_i32 : i32, i32
  }
  func.func @transform_5(%arg0: i32) -> (i32, i32) {
    %c0_i32 = arith.constant 0 : i32
    %c0_i32_0 = arith.constant 0 : i32
    %c0_i32_1 = arith.constant 0 : i32
    return %c0_i32, %c0_i32_0 : i32, i32
  }
  func.func @transform_6(%arg0: i32) -> (i32, i32) {
    %c0_i32 = arith.constant 0 : i32
    %c0_i32_0 = arith.constant 0 : i32
    %c0_i32_1 = arith.constant 0 : i32
    return %c0_i32, %c0_i32_0 : i32, i32
  }
  func.func @transform_7(%arg0: i32) -> (i32, i32) {
    %c0_i32 = arith.constant 0 : i32
    %c0_i32_0 = arith.constant 0 : i32
    %c0_i32_1 = arith.constant 0 : i32
    return %c0_i32, %c0_i32_0 : i32, i32
  }
  func.func @transform_8(%arg0: i32) -> (i32, i32) {
    %c0_i32 = arith.constant 0 : i32
    %c0_i32_0 = arith.constant 0 : i32
    return %arg0, %c0_i32 : i32, i32
  }
}

module attributes {stable_mosaic.version = 14 : i64} {
  func.func @_node_body(%arg0: i32, %arg1: memref<2000x128xf32, #tpu.memory_space<vmem>>, %arg2: memref<2000x128xf32, #tpu.memory_space<vmem>>, %arg3: memref<2000x128xf32, #tpu.memory_space<vmem>>, %arg4: memref<128x128xf32, #tpu.memory_space<vmem>>, %arg5: memref<128x128xf32, #tpu.memory_space<vmem>>, %arg6: memref<1x128xf32, #tpu.memory_space<vmem>>, %arg7: memref<128x128xf32, #tpu.memory_space<vmem>>, %arg8: memref<1x128xf32, #tpu.memory_space<vmem>>, %arg9: memref<2000x128xf32, #tpu.memory_space<vmem>>) attributes {dimension_semantics = [#tpu.dimension_semantics<arbitrary>], iteration_bounds = array<i64: 5>, scalar_prefetch = 0 : i64, scratch_operands = 0 : i64, tpu.core_type = #tpu.core_type<tc>, window_params = [{transform_indices = @transform_0, window_bounds = array<i64: 2000, 128>}, {transform_indices = @transform_1, window_bounds = array<i64: 2000, 128>}, {transform_indices = @transform_2, window_bounds = array<i64: 2000, 128>}, {pipeline_mode = #tpu.pipeline_mode<synchronous>, transform_indices = @transform_3, window_bounds = array<i64: 128, 128>}, {pipeline_mode = #tpu.pipeline_mode<synchronous>, transform_indices = @transform_4, window_bounds = array<i64: 128, 128>}, {pipeline_mode = #tpu.pipeline_mode<synchronous>, transform_indices = @transform_5, window_bounds = array<i64: 1, 128>}, {pipeline_mode = #tpu.pipeline_mode<synchronous>, transform_indices = @transform_6, window_bounds = array<i64: 128, 128>}, {pipeline_mode = #tpu.pipeline_mode<synchronous>, transform_indices = @transform_7, window_bounds = array<i64: 1, 128>}, {transform_indices = @transform_8, window_bounds = array<i64: 2000, 128>}]} {
    %get3A = arith.constant 0 : index
    %get3A_0 = arith.constant 0 : index
    %get3A_1 = vector.load %arg1[%get3A, %get3A_0] : memref<2000x128xf32, #tpu.memory_space<vmem>>, vector<2000x128xf32>
    %get3A_2 = arith.constant 0 : index
    %get3A_3 = arith.constant 0 : index
    %get3A_4 = vector.load %arg2[%get3A_2, %get3A_3] : memref<2000x128xf32, #tpu.memory_space<vmem>>, vector<2000x128xf32>
    %get3A_5 = arith.constant 0 : index
    %get3A_6 = arith.constant 0 : index
    %get3A_7 = vector.load %arg3[%get3A_5, %get3A_6] : memref<2000x128xf32, #tpu.memory_space<vmem>>, vector<2000x1xf32>
    %max3A = arith.constant 1.000000e+00 : f32
    %max3A_8 = vector.broadcast %max3A : f32 to vector<2000x1xf32>
    %max3A_9 = arith.maximumf %get3A_7, %max3A_8 : vector<2000x1xf32>
    %div3A = vector.broadcast %max3A_9 : vector<2000x1xf32> to vector<2000x128xf32>
    %div3A_10 = arith.divf %get3A_4, %div3A : vector<2000x128xf32>
    %get3A_11 = arith.constant 0 : index
    %get3A_12 = arith.constant 0 : index
    %get3A_13 = vector.load %arg4[%get3A_11, %get3A_12] : memref<128x128xf32, #tpu.memory_space<vmem>>, vector<128x128xf32>
    %dot_general3A = arith.constant dense<0.000000e+00> : vector<2000x128xf32>
    %dot_general3A_14 = tpu.matmul %get3A_1, %get3A_13, %dot_general3A {dimension_numbers = #tpu.dot_dimension_numbers<[1], [0], [0], [1], [0, 0, 1, 1], [], []>, precision = #tpu.contract_precision<fp32>, transpose_lhs_hint = false} : vector<2000x128xf32>, vector<128x128xf32>, vector<2000x128xf32> -> vector<2000x128xf32>
    %get3A_15 = arith.constant 0 : index
    %get3A_16 = arith.constant 0 : index
    %get3A_17 = vector.load %arg5[%get3A_15, %get3A_16] : memref<128x128xf32, #tpu.memory_space<vmem>>, vector<128x128xf32>
    %dot_general3A_18 = arith.constant dense<0.000000e+00> : vector<2000x128xf32>
    %dot_general3A_19 = tpu.matmul %div3A_10, %get3A_17, %dot_general3A_18 {dimension_numbers = #tpu.dot_dimension_numbers<[1], [0], [0], [1], [0, 0, 1, 1], [], []>, precision = #tpu.contract_precision<fp32>, transpose_lhs_hint = false} : vector<2000x128xf32>, vector<128x128xf32>, vector<2000x128xf32> -> vector<2000x128xf32>
    %add3A = arith.addf %dot_general3A_14, %dot_general3A_19 : vector<2000x128xf32>
    %get3A_20 = arith.constant 0 : index
    %get3A_21 = arith.constant 0 : index
    %get3A_22 = vector.load %arg6[%get3A_20, %get3A_21] : memref<1x128xf32, #tpu.memory_space<vmem>>, vector<1x128xf32>
    %add3A_23 = vector.broadcast %get3A_22 : vector<1x128xf32> to vector<2000x128xf32>
    %add3A_24 = arith.addf %add3A, %add3A_23 : vector<2000x128xf32>
    %logistic3A = arith.negf %add3A_24 : vector<2000x128xf32>
    %logistic3A_25 = math.exp %logistic3A : vector<2000x128xf32>
    %logistic3A_26 = arith.constant 1.000000e+00 : f32
    %logistic3A_27 = vector.broadcast %logistic3A_26 : f32 to vector<2000x128xf32>
    %logistic3A_28 = arith.addf %logistic3A_27, %logistic3A_25 : vector<2000x128xf32>
    %logistic3A_29 = arith.divf %logistic3A_27, %logistic3A_28 : vector<2000x128xf32>
    %mul3A = arith.mulf %add3A_24, %logistic3A_29 : vector<2000x128xf32>
    %get3A_30 = arith.constant 0 : index
    %get3A_31 = arith.constant 0 : index
    %get3A_32 = vector.load %arg7[%get3A_30, %get3A_31] : memref<128x128xf32, #tpu.memory_space<vmem>>, vector<128x128xf32>
    %dot_general3A_33 = arith.constant dense<0.000000e+00> : vector<2000x128xf32>
    %dot_general3A_34 = tpu.matmul %mul3A, %get3A_32, %dot_general3A_33 {dimension_numbers = #tpu.dot_dimension_numbers<[1], [0], [0], [1], [0, 0, 1, 1], [], []>, precision = #tpu.contract_precision<fp32>, transpose_lhs_hint = false} : vector<2000x128xf32>, vector<128x128xf32>, vector<2000x128xf32> -> vector<2000x128xf32>
    %get3A_35 = arith.constant 0 : index
    %get3A_36 = arith.constant 0 : index
    %get3A_37 = vector.load %arg8[%get3A_35, %get3A_36] : memref<1x128xf32, #tpu.memory_space<vmem>>, vector<1x128xf32>
    %add3A_38 = vector.broadcast %get3A_37 : vector<1x128xf32> to vector<2000x128xf32>
    %add3A_39 = arith.addf %dot_general3A_34, %add3A_38 : vector<2000x128xf32>
    %logistic3A_40 = arith.negf %add3A_39 : vector<2000x128xf32>
    %logistic3A_41 = math.exp %logistic3A_40 : vector<2000x128xf32>
    %logistic3A_42 = arith.constant 1.000000e+00 : f32
    %logistic3A_43 = vector.broadcast %logistic3A_42 : f32 to vector<2000x128xf32>
    %logistic3A_44 = arith.addf %logistic3A_43, %logistic3A_41 : vector<2000x128xf32>
    %logistic3A_45 = arith.divf %logistic3A_43, %logistic3A_44 : vector<2000x128xf32>
    %mul3A_46 = arith.mulf %add3A_39, %logistic3A_45 : vector<2000x128xf32>
    %add3A_47 = arith.addf %get3A_1, %mul3A_46 : vector<2000x128xf32>
    %swap3A = arith.constant 0 : index
    %swap3A_48 = arith.constant 0 : index
    %swap3A_49 = vector.load %arg9[%swap3A, %swap3A_48] : memref<2000x128xf32, #tpu.memory_space<vmem>>, vector<2000x128xf32>
    tpu.vector_store %arg9[%swap3A, %swap3A_48], %add3A_47 {strides = array<i32>} : memref<2000x128xf32, #tpu.memory_space<vmem>>, vector<2000x128xf32>,
    return
  }
  func.func @transform_0(%arg0: i32) -> (i32, i32) {
    %c0_i32 = arith.constant 0 : i32
    %c0_i32_0 = arith.constant 0 : i32
    return %arg0, %c0_i32 : i32, i32
  }
  func.func @transform_1(%arg0: i32) -> (i32, i32) {
    %c0_i32 = arith.constant 0 : i32
    %c0_i32_0 = arith.constant 0 : i32
    return %arg0, %c0_i32 : i32, i32
  }
  func.func @transform_2(%arg0: i32) -> (i32, i32) {
    %c0_i32 = arith.constant 0 : i32
    %c0_i32_0 = arith.constant 0 : i32
    return %arg0, %c0_i32 : i32, i32
  }
  func.func @transform_3(%arg0: i32) -> (i32, i32) {
    %c0_i32 = arith.constant 0 : i32
    %c0_i32_0 = arith.constant 0 : i32
    %c0_i32_1 = arith.constant 0 : i32
    return %c0_i32, %c0_i32_0 : i32, i32
  }
  func.func @transform_4(%arg0: i32) -> (i32, i32) {
    %c0_i32 = arith.constant 0 : i32
    %c0_i32_0 = arith.constant 0 : i32
    %c0_i32_1 = arith.constant 0 : i32
    return %c0_i32, %c0_i32_0 : i32, i32
  }
  func.func @transform_5(%arg0: i32) -> (i32, i32) {
    %c0_i32 = arith.constant 0 : i32
    %c0_i32_0 = arith.constant 0 : i32
    %c0_i32_1 = arith.constant 0 : i32
    return %c0_i32, %c0_i32_0 : i32, i32
  }
  func.func @transform_6(%arg0: i32) -> (i32, i32) {
    %c0_i32 = arith.constant 0 : i32
    %c0_i32_0 = arith.constant 0 : i32
    %c0_i32_1 = arith.constant 0 : i32
    return %c0_i32, %c0_i32_0 : i32, i32
  }
  func.func @transform_7(%arg0: i32) -> (i32, i32) {
    %c0_i32 = arith.constant 0 : i32
    %c0_i32_0 = arith.constant 0 : i32
    %c0_i32_1 = arith.constant 0 : i32
    return %c0_i32, %c0_i32_0 : i32, i32
  }
  func.func @transform_8(%arg0: i32) -> (i32, i32) {
    %c0_i32 = arith.constant 0 : i32
    %c0_i32_0 = arith.constant 0 : i32
    return %arg0, %c0_i32 : i32, i32
  }
}

</mosaic_0001>

<sc_bundles>
// kernel: kernel.11.cloned.1.call-start
scs
__scs_entry_jumppad:
0x0: {  	(pc) =	sbr.rel $0x88, $3  }
0x1: {  	(tag) =	ssettag $0x0;
	lr =	simm.s32 $0x1  }
0x2: {  	[smem:$0x3F94] =	sst lr;
	_ =	strace $0xD0000000  }
0x3: {  	_ = 	snop  }
0x4: {  	_ = 	snop  }
0x5: {  	_ = 	snop  }
0x6: {  	_ = 	snop  }
0x7: {  	_ = 	snop  }
__scs_overlays_trampoline_lowered:
0x8: {  	[smem:$0x3FA3] =	sst s0  }
0x9: {  	[smem:$0x3FA4] =	sst s1  }
0xa: {  	[smem:$0x3FA5] =	sst s2  }
0xb: {  	[smem:$0x3FA6] =	sst s3  }
0xc: {  	[smem:$0x3FA7] =	sst s4  }
0xd: {  	[smem:$0x3FA8] =	sst s5  }
0xe: {  	[smem:$0x3FA9] =	sst s6  }
0xf: {  	[smem:$0x3FAA] =	sst s7  }
0x10: {  	[smem:$0x3FAB] =	sst s8  }
0x11: {  	[smem:$0x3FAC] =	sst s9;
	s0 =	simm.s32 @!p0 $0x0  }
0x12: {  	s1 =	sld [smem:$0x3F92];
	s0 =	simm.s32 @p0 $0x1  }
0x13: {  	[smem:$0x3FAD] =	sst s0;
	s0 =	simm.s32 @!p1 $0x0  }
0x14: {  	s2 =	sld [smem:$0x3F91];
	s0 =	simm.s32 @p1 $0x1  }
0x15: {  	[smem:$0x3FAE] =	sst s0;
	s0 =	simm.s32 @!p2 $0x0  }
0x16: {  	s3 =	sld [smem:$0x3FDB];
	s0 =	simm.s32 @p2 $0x1  }
0x17: {  	s4 =	simm.s32 $0x1BF5;
	[smem:$0x3FB0] =	sst s0  }
0x18: {  	s0 =	sld [smem:$0x3F93];
	_ =	swait.ge [sflag:s4], $0x0  }
0x19: {  	s7 =	sld [smem:$0x3F94]  }
0x1a: {  	s8 =	sadd.s32 $0xFFFFE003, lr  }
0x1b: {  	s9 =	sadd.s32 $0xFFFFFEF7, lr;
	s5 =	simm.s32 $0xFFFFFFFF;
	p2 =	slt.u32 s8, $0xFFFFF086  }
0x1c: {  	p1 =	slt.u32 s9, $0xF7A;
	s5 =	simm.s32 @!p2 $0x0  }
0x1d: {  	s5 =	simm.s32 @p1 $0x1;
	p0 =	seq.s32 s7, s2  }
0x1e: {  	s7 =	smul.u32 @!p0 $0xF7A, s2;
	p2 =	seq.s32 @!p0 s5, $0x0  }
0x1f: {  	s9 =	smul.u32 $0xF7A, s1;
	s8 =	simm.s32 @!p0 $0x1BF5;
	p2 =	por !p2, p0  }
0x20: {  	[sflag:s8] =	ssyncset.s32 @!p0 $0xFFFFF086;
	s6 =	sadd.s32 @!p0 s3, s7;
	s7 =	simm.s32 @!p0 $0x108  }
0x21: {  	s3 =	sadd.s32 s3, s9;
	s6 =	sadd.s32 @!p0 $0x88, s6;
	s7 =	simm.s32 @p2 $0x1082  }
0x22: {  	[simem:s7], [sflag:s8] =	dma.local @!p0 [hbm:s6], $0xF7A  }
0x23: {  	s9 =	sor.u32 $0xD0000000, s2;
	s6 =	simm.s32 $0x108;
	_ =	swait.ge @!p0 [sflag:s8], $0x0  }
0x24: {  	s3 =	sadd.s32 $0x88, s3;
	s6 =	simm.s32 @!p1 $0x1082;
	[sflag:s4] =	ssyncset.s32 $0xFFFFF086  }
0x25: {  	[simem:s6], [sflag:s4] =	dma.local [hbm:s3], $0xF7A  }
0x26: {  	[smem:$0x3F94] =	sst s1;
	(tag) =	ssettag s2;
	_ =	strace s9  }
0x27: {  	s1 =	sld [smem:$0x3FA4]  }
0x28: {  	s2 =	sld [smem:$0x3FA5]  }
0x29: {  	s4 =	sld [smem:$0x3FA7]  }
0x2a: {  	p0 =	seq.s32 s5, $0x0;
	s5 =	sld [smem:$0x3FA8]  }
0x2b: {  	s6 =	sld [smem:$0x3FA9]  }
0x2c: {  	s7 =	sld [smem:$0x3FAA]  }
0x2d: {  	s3 =	simm.s32 $0x108;
	s8 =	sld [smem:$0x3FAB]  }
0x2e: {  	s3 =	simm.s32 @!p0 $0x1082;
	s9 =	sld [smem:$0x3FAC]  }
0x2f: {  	lr =	sadd.s32 s0, s3;
	s0 =	sld [smem:$0x3FA3]  }
0x30: {  	s3 =	sld [smem:$0x3FA6]  }
0x31: {  	[smem:$0x3FAF] =	sst s10  }
0x32: {  	s10 =	sld [smem:$0x3FAD];
	_ =	sdelay $0x3  }
0x33: {  	p0 =	seq.s32 s10, $0x1;
	s10 =	sld [smem:$0x3FAF];
	_ =	sdelay $0x3  }
0x34: {  	[smem:$0x3FAF] =	sst s10  }
0x35: {  	s10 =	sld [smem:$0x3FAE];
	_ =	sdelay $0x3  }
0x36: {  	p1 =	seq.s32 s10, $0x1;
	s10 =	sld [smem:$0x3FAF];
	_ =	sdelay $0x3  }
0x37: {  	[smem:$0x3FAF] =	sst s10  }
0x38: {  	s10 =	sld [smem:$0x3FB0]  }
0x39: {  	_ = 	snop;
	(pc) =	sbr.ind lr, $3  }
0x3a: {  	_ = 	snop  }
0x3b: {  	_ = 	snop  }
0x3c: {  	p2 =	seq.s32 s10, $0x1;
	s10 =	sld [smem:$0x3FAF]  }
0x3d: {  	_ =	shalt  }
0x3e: {  	_ =	shalt  }
0x3f: {  	_ =	shalt  }
0x40: {  	_ =	shalt  }
0x41: {  	_ =	shalt  }
0x42: {  	_ =	shalt  }
0x43: {  	_ =	shalt  }
0x44: {  	_ =	shalt  }
0x45: {  	_ =	shalt  }
0x46: {  	_ =	shalt  }
0x47: {  	_ =	shalt  }
0x48: {  	_ =	shalt  }
0x49: {  	_ =	shalt  }
0x4a: {  	_ =	shalt  }
0x4b: {  	_ =	shalt  }
0x4c: {  	_ =	shalt  }
0x4d: {  	_ =	shalt  }
0x4e: {  	_ =	shalt  }
0x4f: {  	_ =	shalt  }
0x50: {  	_ =	shalt  }
0x51: {  	_ =	shalt  }
0x52: {  	_ =	shalt  }
0x53: {  	_ =	shalt  }
0x54: {  	_ =	shalt  }
0x55: {  	_ =	shalt  }
0x56: {  	_ =	shalt  }
0x57: {  	_ =	shalt  }
0x58: {  	_ =	shalt  }
0x59: {  	_ =	shalt  }
0x5a: {  	_ =	shalt  }
0x5b: {  	_ =	shalt  }
0x5c: {  	_ =	shalt  }
0x5d: {  	_ =	shalt  }
0x5e: {  	_ =	shalt  }
0x5f: {  	_ =	shalt  }
0x60: {  	_ =	shalt  }
0x61: {  	_ =	shalt  }
0x62: {  	_ =	shalt  }
0x63: {  	_ =	shalt  }
0x64: {  	_ =	shalt  }
0x65: {  	_ =	shalt  }
0x66: {  	_ =	shalt  }
0x67: {  	_ =	shalt  }
0x68: {  	_ =	shalt  }
0x69: {  	_ =	shalt  }
0x6a: {  	_ =	shalt  }
0x6b: {  	_ =	shalt  }
0x6c: {  	_ =	shalt  }
0x6d: {  	_ =	shalt  }
0x6e: {  	_ =	shalt  }
0x6f: {  	_ =	shalt  }
0x70: {  	_ =	shalt  }
0x71: {  	_ =	shalt  }
0x72: {  	_ =	shalt  }
0x73: {  	_ =	shalt  }
0x74: {  	_ =	shalt  }
0x75: {  	_ =	shalt  }
0x76: {  	_ =	shalt  }
0x77: {  	_ =	shalt  }
0x78: {  	_ =	shalt  }
0x79: {  	_ =	shalt  }
0x7a: {  	_ =	shalt  }
0x7b: {  	_ =	shalt  }
0x7c: {  	_ =	shalt  }
0x7d: {  	_ =	shalt  }
0x7e: {  	_ =	shalt  }
0x7f: {  	_ =	shalt  }
0x80: {  	_ =	shalt  }
0x81: {  	_ =	shalt  }
0x82: {  	_ =	shalt  }
0x83: {  	_ =	shalt  }
0x84: {  	_ =	shalt  }
0x85: {  	_ =	shalt  }
0x86: {  	_ =	shalt  }
0x87: {  	_ =	shalt  }
.Lfunc_end0:
.L_simem_size_0:
called_computation.1_lowered:
.L_overlay_start_0:
0x88: {  	s2 =	sld [smem:$0x3FD9]  }
0x89: {  	s3 =	sld [smem:$0x3FFE];
	_ =	sdelay $0x1  }
0x8a: {  	s1 =	srdreg.scid  }
0x8b: {  	s0 =	sand.u32 $0x1, s1  }
0x8c: {  	s14 =	sshll.u32 s0, $0xA;
	s2 =	sadd.s32 s3, s2  }
0x8d: {  	s2 =	sadd.s32 s2, s14  }
0x8e: {  	[smem:$0x3FBB] =	sst s2  }
0x8f: {  	_ = 	snop  }
0x90: {  	s2 =	sld [smem:$0x3FD0];
	_ =	sdelay $0x2  }
0x91: {  	s15 =	simm.s32 $0xA;
	s4 =	simm.s32 $0x10  }
0x92: {  	[smem:s4], [sflag:s15] =	dma.local [hbm:s2], $0x1  }
0x93: {  	_ =	swait.eq [sflag:s15], $0x1  }
0x94: {  	[sflag:s15] =	ssyncset.done $0x0  }
0x95: {  	s16 =	sld [smem:$0x10];
	[sflag:s15] =	ssyncadd.s32 $0xFFFFFFFF  }
0x96: {  	s17 =	sld [smem:$0x11];
	(tm) =	ssettm $0x1  }
0x97: {  	s18 =	sld [smem:$0x3FFB];
	_ =	sdelay $0x3  }
0x98: {  	_ =	strace s18  }
0x99: {  	s4 =	sld [smem:$0x3FFC];
	_ =	sdelay $0x3  }
0x9a: {  	_ =	strace s4  }
0x9b: {  	s4 =	sld [smem:$0x3FFD];
	_ =	sdelay $0x3  }
0x9c: {  	_ =	strace s4  }
0x9d: {  	_ =	strace $0x8FFFFFFF  }
0x9e: {  	s19 =	sld [smem:$0x3FDB];
	_ =	sdelay $0x1  }
0x9f: {  	s5 =	simm.s32 $_scs_section_size  }
0xa0: {  	s6 =	simm.s32 $_size__tile_overlayer_lowered;
	s7 =	simm.s32 $_tile_overlayer_lowered  }
0xa1: {  	s22 =	simm.s32 $0x1BFF;
	s21 =	sshll.u32 s7, $0x1;
	s4 =	sadd.s32 s5, s19  }
0xa2: {  	s8 =	simm.s32 $0x0;
	s20 =	sshll.u32 s6, $0x1;
	s6 =	sadd.s32 s21, s4  }
0xa3: {  	[timem:s8], [sflag:s22] =	dma.local [hbm:s6], s20  }
0xa4: {  	_ =	swait.ge [sflag:s22], s20  }
0xa5: {  	s5 =	ssub.s32 $0x0, s20;
	[sflag:s22] =	ssyncset.done $0x0  }
0xa6: {  	[sflag:s22] =	ssyncadd.s32 s5;
	_ =	sdelay $0x1  }
0xa7: {  	s23 =	simm.s32 $0x1B8B  }
0xa8: {  	_ =	swait.ge [sflag:s23], $0x1  }
0xa9: {  	[sflag:s23] =	ssyncset.done $0x0  }
0xaa: {  	s25 =	simm.s32 $0x1B8E;
	s24 =	sld [smem:$0x3FFE];
	[sflag:s23] =	ssyncadd.s32 $0xFFFFFFFF  }
0xab: {  	s26 =	simm.s32 $execute0_lowered;
	[smem:$0x3FD2] =	sst s25  }
0xac: {  	s6 =	sshll.u32 s26, $0x1;
	_ =	strace $0x80000049;
	[dreg:$0x1] =	wrdreg $0xFFFFFFFF  }
0xad: {  	s28 =	simm.s32 $_size_execute0_lowered;
	s4 =	sadd.s32 s4, s6;
	[dreg:$0x0] =	wrdreg $0x0  }
0xae: {  	s6 =	sshll.u32 s28, $0x1;
	[dreg:$0x2] =	wrdreg s4  }
0xaf: {  	[dreg:$0x3] =	wrdreg s6  }
0xb0: {  	[dreg:$0x4] =	wrdreg $0xC0  }
0xb1: {  	_ =	task [dreg:s8], $0x5FFFF  }
0xb2: {  	[dreg:$0x1] =	wrdreg $0xFFFFFFFF  }
0xb3: {  	[dreg:$0x0] =	wrdreg $0x60  }
0xb4: {  	[dreg:$0x2] =	wrdreg s17  }
0xb5: {  	[dreg:$0x3] =	wrdreg s24  }
0xb6: {  	[dreg:$0x4] =	wrdreg s16  }
0xb7: {  	[dreg:$0x5] =	wrdreg $0x50800  }
0xb8: {  	[dreg:$0x6] =	wrdreg $0x9  }
0xb9: {  	_ =	task.clear_ibuf [dreg:s8], $0x7FFFF;
	_ =	strace $0x90000049  }
0xba: {  	s29 =	simm.s32 $0x9;
	_ =	strace $0x8000004B  }
0xbb: {  	_ =	swait.ge [sflag:s29], $0x1  }
0xbc: {  	[sflag:s29] =	ssyncadd.s32 $0xFFFFFFFF  }
0xbd: {  	_ =	strace $0x9000004B  }
0xbe: {  	_ =	sfence  }
0xbf: {  	s30 =	sld [smem:$0x0];
	_ =	sdelay $0x2  }
0xc0: {  	s31 =	sshll.u32 s1, $0xD;
	s1 =	sshrl.u32 s1, $0x2  }
0xc1: {  	s3 =	sand.u32 $0x4000, s31;
	s1 =	sadd.s32 s1, s30  }
0xc2: {  	s0 =	sor.u32 s3, s0;
	s1 =	sshll.u32 s1, $0x11  }
0xc3: {  	s0 =	sor.u32 s1, s0  }
0xc4: {  	s0 =	sadd.s32 $0x8F2B, s0  }
0xc5: {  	[sflag:s0] =	ssyncadd.remote.s32 $0x1  }
0xc6: {  	_ =	sfence.sel $0xFFFF  }
0xc7: {  	[dreg:$0x0] =	wrdreg $0xFFFFFFFF;
	(pc) =	sbr.abs _section_cstart, $3  }
0xc8: {  	[dreg:$0x1] =	wrdreg $0xFFFFFFFF  }
0xc9: {  	_ =	task.clear_ibuf [dreg:s8], $0x2FFFF;
	_ =	strace $0x9FFFFFFF  }
0xca: {  	(tm) =	ssettm $0x7FFFFFFF  }
0xcb: {  	_ =	shalt  }
tec
execute0_lowered:
.L_overlay_start_1:
0x0: {  	(tag) =	ssettag $0x1  }
0x1: {  	s0 =	rddreg [dreg:$0x0]  }
0x2: {  	s5 =	rddreg [dreg:$0x1]  }
0x3: {  	s8 =	rddreg [dreg:$0x2]  }
0x4: {  	s1 =	rddreg [dreg:$0x3]  }
0x5: {  	s21 =	stileid.u32;
	s2 =	simm.s32 $0x0;
	s4 =	srdreg.scid  }
0x6: {  	s16 =	simm.s32 $0x1;
	s18 =	simm.s32 $0x2880;
	s20 =	simm.s32 $0x2  }
0x7: {  	s3 =	smul.u32 $0x9C4, s21;
	[smem:$0x7FF] =	sst s2;
	s19 =	sand.u32 $0x1, s4  }
0x8: {  	s6 =	smul.u32 $0x4E000, s21;
	s29 =	sadd.s32 $0x17600, s5;
	s13 =	sadd.s32 $0x3E800, s5  }
0x9: {  	s11 =	smul.u32 $0x2700, s21;
	s30 =	sshll.u32 s21, $0x6;
	s17 =	sadd.s32 $0x138000, s1  }
0xa: {  	s31 =	smul.u32 $0x4E200, s21;
	p1 =	sne.s32 s21, $0x0;
	p3 =	seq.s32 s21, $0x0  }
0xb: {  	s21 =	simm.s32 $0x0;
	_ =	strace $0x8000004A;
	s7 =	ssub.s32 $0x2, s19  }
0xc: {  	p0 =	seq.s32 s19, $0x1;
	s10 =	smov.u32 s13;
	[dreg:$0x5] =	wrdreg s17  }
0xd: {  	s17 =	sshrl.u32 @!p1 s17, $0x3;
	p2 =	sne.s32 s19, $0x0;
	s19 =	simm.s32 $0x2800  }
0xe: {  	s14 =	sadd.s32 s3, s5;
	s3 =	sadd.s32 $0x3A00, s5;
	s9 =	sshrl.u32 s7, $0x1  }
.Ltmp0:
0xf: {  	s6 =	sshrl.u32 s6, $0x2;
	s5 =	smov.u32 s29;
	(pc) =	sbr.rel .LBB2_1-.Ltmp0, $4  }
0x10: {  	s4 =	sadd.s32 s29, s11;
	s12 =	ssub.s32 s7, s9;
	s15 =	sadd.s32 s6, s1  }
0x11: {  	s6 =	sadd.s32 s8, s11;
	s7 =	sor.u32 $0x1C01, s30;
	s9 =	sadd.s32 $0x27000, s8  }
0x12: {  	[dreg:$0x6] =	wrdreg s4;
	s11 =	sadd.s32 s13, s11;
	s13 =	sadd.s32 s31, s0  }
0x13: {  	s14 =	sadd.s32 $0xD800, s14;
	s12 =	smax.u32 s12, $0x1;
	s15 =	sshrl.u32 s15, $0x3  }
.LBB2_6:
0x14: {  	s4 =	rddreg [dreg:$0x5]  }
0x15: {  	s0 =	sadd.s32 $0x27000, s0;
	s4 =	sshrl.u32 s4, $0x3  }
0x16: {  	[hbm:s0], [sflag:s7] =	dma.local [spmem:s4], $0x100  }
0x17: {  	_ =	swait.ge [sflag:s16], $0x100  }
0x18: {  	[sflag:s16] =	ssyncset.done $0x0  }
0x19: {  	[sflag:s16] =	ssyncadd.s32 $0xFFFFFF00  }
.LBB2_7:
0x1a: {  	s21 =	sadd.s32 $0x1, s21  }
0x1b: {  	p4 =	sne.s32 s21, s12  }
.Ltmp1:
0x1c: {  	_ = 	snop;
	(pc) =	sbr.rel @!p4 .LBB2_8-.Ltmp1, $1  }
0x1d: {  	_ =	sdelay $0x3  }
.LBB2_1:
0x1e: {  	[spmem:s15], [sflag:s7] =	dma.local [hbm:s6], $0x2700  }
0x1f: {  	_ =	swait.ge [sflag:s16], $0x2700  }
0x20: {  	[sflag:s16] =	ssyncset.done $0x0  }
0x21: {  	s0 =	simm.s32 @!p1 $0x1;
	[sflag:s16] =	ssyncadd.s32 $0xFFFFD900  }
0x22: {  	[spmem:s17], [sflag:s7] =	dma.local @!p1 [hbm:s9], $0x100  }
0x23: {  	_ =	swait.ge @!p1 [sflag:s0], $0x100  }
0x24: {  	[sflag:s0] =	ssyncset.done @!p1 $0x0  }
0x25: {  	[sflag:s0] =	ssyncadd.s32 @!p1 $0xFFFFFF00  }
0x26: {  	[tilespmem:s18], [sflag:$0x1] =	stream.linear.gather [hbm4b:s3+s2], $0x2800, $0x38;
	[tilespmem:$0x18900] =	vst v63  }
0x27: {  	_ =	swait.ge [sflag:s16], $0x2800  }
0x28: {  	[sflag:s16] =	ssyncset.done $0x0  }
0x29: {  	[sflag:s16] =	ssyncadd.s32 $0xFFFFD800  }
0x2a: {  	s26 =	sadd.s32 $0x0, s14;
	[bflag:$0x0] =	sbarrier.arrive $0xFFFF  }
0x2b: {  	[tilespmem:s19], [sflag:$0x2] =	stream.linear.gather [hbm4b:s26+s2], $0x50, $0x38;
	[tilespmem:$0x18900] =	vst v63  }
0x2c: {  	_ =	swait.ge [sflag:s20], $0x50  }
0x2d: {  	s22 =	simm.s32 @p2 $0x2880;
	[sflag:s20] =	ssyncset.done $0x0  }
0x2e: {  	s23 =	simm.s32 @p2 $0x50;
	s24 =	simm.s32 @p2 $0x2800;
	[sflag:s20] =	ssyncadd.s32 $0xFFFFFFB0  }
0x2f: {  	[spmem:s1] =	stream.indirect.scatter.add.f32 @p2 [tilespmem:s22], [sflag:$0x1], $0x80, s24, s23, $0xb8;
	[tilespmem:$0x18900] =	vst v63  }
0x30: {  	s25 =	simm.s32 @!p2 $0x0;
	s26 =	simm.s32 @!p2 $0x2  }
0x31: {  	[tilespmem:s25], [sflag:$0x2] =	stream.linear.gather @!p2 [hbm4b:s13+s25], $0x2800, $0x38;
	[tilespmem:$0x18900] =	vst v63  }
0x32: {  	_ =	swait.ge @!p2 [sflag:s26], $0x2800  }
0x33: {  	s28 =	simm.s32 @!p2 $0x2;
	s30 =	simm.s32 @!p2 $0x50;
	[sflag:s26] =	ssyncset.done @!p2 $0x0  }
0x34: {  	s31 =	simm.s32 @!p2 $0x2800;
	s28 =	simm.s32 @p2 $0x1;
	[sflag:s26] =	ssyncadd.s32 @!p2 $0xFFFFD800  }
0x35: {  	[spmem:s1] =	stream.indirect.scatter.add.f32 @!p2 [tilespmem:s25], [sflag:$0x2], $0x80, s31, s30, $0xb8;
	[tilespmem:$0x18900] =	vst v63  }
0x36: {  	s8 =	simm.s32 $0x14;
	_ =	swait.ge [sflag:s28], $0x2800  }
0x37: {  	s29 =	sadd.s32 $0x500, s13;
	s0 =	simm.s32 $0xA;
	[sflag:s28] =	ssyncset.done $0x0  }
.LBB2_2:
0x38: {  	s4 =	sadd.s32 s0, s14  }
0x39: {  	[sflag:s28] =	ssyncadd.s32 $0xFFFFD800;
	s0 =	smov.u32 s8;
	s8 =	sadd.s32 $0xA, s8  }
0x3a: {  	[tilespmem:s19], [sflag:$0x2] =	stream.linear.gather [hbm4b:s4+s2], $0x50, $0x38;
	[tilespmem:$0x18900] =	vst v63  }
0x3b: {  	p4 =	sne.s32 s8, $0x9C4;
	_ =	swait.ge [sflag:s20], $0x50  }
0x3c: {  	[sflag:s20] =	ssyncset.done $0x0  }
0x3d: {  	[sflag:s20] =	ssyncadd.s32 $0xFFFFFFB0  }
0x3e: {  	[spmem:s1] =	stream.indirect.scatter.add.f32 @p2 [tilespmem:s22], [sflag:$0x1], $0x80, s24, s23, $0xb8;
	[tilespmem:$0x18900] =	vst v63  }
0x3f: {  	_ = 	snop  }
0x40: {  	[tilespmem:s25], [sflag:$0x2] =	stream.linear.gather @!p2 [hbm4b:s29+s25], $0x2800, $0x38;
	[tilespmem:$0x18900] =	vst v63  }
0x41: {  	_ =	swait.ge @!p2 [sflag:s26], $0x2800  }
.Ltmp2:
0x42: {  	[sflag:s26] =	ssyncset.done @!p2 $0x0;
	(pc) =	sbr.rel @p4 .LBB2_2-.Ltmp2, $4  }
0x43: {  	[sflag:s26] =	ssyncadd.s32 @!p2 $0xFFFFD800  }
0x44: {  	[spmem:s1] =	stream.indirect.scatter.add.f32 @!p2 [tilespmem:s25], [sflag:$0x2], $0x80, s31, s30, $0xb8;
	[tilespmem:$0x18900] =	vst v63  }
0x45: {  	_ =	swait.ge [sflag:s28], $0x2800  }
0x46: {  	s29 =	sadd.s32 $0x500, s29;
	[sflag:s28] =	ssyncset.done $0x0  }
0x47: {  	s0 =	sadd.s32 s0, s14;
	[sflag:s28] =	ssyncadd.s32 $0xFFFFD800  }
0x48: {  	[tilespmem:s19], [sflag:$0x2] =	stream.linear.gather [hbm4b:s0+s2], $0x50, $0x38;
	[tilespmem:$0x18900] =	vst v63  }
0x49: {  	_ =	swait.ge [sflag:s20], $0x50  }
0x4a: {  	s4 =	simm.s32 @p2 $0x50;
	[sflag:s20] =	ssyncset.done $0x0  }
0x4b: {  	s8 =	simm.s32 @p2 $0x2800;
	s0 =	simm.s32 @p2 $0x2880;
	[sflag:s20] =	ssyncadd.s32 $0xFFFFFFB0  }
0x4c: {  	[spmem:s1] =	stream.indirect.scatter.add.f32 @p2 [tilespmem:s0], [sflag:$0x1], $0x80, s8, s4, $0xb8;
	[tilespmem:$0x18900] =	vst v63  }
0x4d: {  	s0 =	simm.s32 @!p2 $0x0;
	s4 =	simm.s32 @!p2 $0x2  }
0x4e: {  	[tilespmem:s0], [sflag:$0x2] =	stream.linear.gather @!p2 [hbm4b:s29+s0], $0x2800, $0x38;
	[tilespmem:$0x18900] =	vst v63  }
0x4f: {  	_ =	swait.ge @!p2 [sflag:s4], $0x2800  }
0x50: {  	s22 =	simm.s32 @!p2 $0x2800;
	[sflag:s4] =	ssyncset.done @!p2 $0x0  }
0x51: {  	s8 =	simm.s32 @!p2 $0x50;
	[sflag:s4] =	ssyncadd.s32 @!p2 $0xFFFFD800;
	s4 =	simm.s32 @p2 $0x1  }
0x52: {  	[spmem:s1] =	stream.indirect.scatter.add.f32 @!p2 [tilespmem:s0], [sflag:$0x2], $0x80, s22, s8, $0xb8;
	[tilespmem:$0x18900] =	vst v63  }
.Ltmp3:
0x53: {  	_ =	swait.ge [sflag:s4], $0x2800;
	(pc) =	sbr.rel @!p0 .LBB2_4-.Ltmp3, $3  }
0x54: {  	[sflag:s4] =	ssyncset.done $0x0  }
0x55: {  	[sflag:s4] =	ssyncadd.s32 $0xFFFFD800  }
0x56: {  	[bflag:$0x0] =	sbarrier.arrive $0xFFFF;
	_ =	sdelay $0x1  }
0x57: {  	[hbm:s11], [sflag:s7] =	dma.local [spmem:s15], $0x2700  }
.Ltmp4:
0x58: {  	_ = 	snop;
	(pc) =	sbr.rel @p1 .LBB2_7-.Ltmp4, $4  }
.Ltmp5:
0x59: {  	_ = 	snop;
	(pc) =	sbr.rel @!p1 .LBB2_6-.Ltmp5, $4  }
0x5a: {  	_ =	swait.ge [sflag:s16], $0x2700  }
0x5b: {  	[sflag:s16] =	ssyncset.done $0x0  }
0x5c: {  	s0 =	smov.u32 s10;
	[sflag:s16] =	ssyncadd.s32 $0xFFFFD900  }
0x5d: {  	_ = 	snop  }
.LBB2_4:
0x5e: {  	s0 =	rddreg [dreg:$0x6]  }
0x5f: {  	[hbm:s0], [sflag:s7] =	dma.local [spmem:s15], $0x2700  }
.Ltmp6:
0x60: {  	_ = 	snop;
	(pc) =	sbr.rel @!p3 .LBB2_7-.Ltmp6, $4  }
.Ltmp7:
0x61: {  	_ = 	snop;
	(pc) =	sbr.rel @p3 .LBB2_6-.Ltmp7, $4  }
0x62: {  	_ =	swait.ge [sflag:s16], $0x2700  }
0x63: {  	[sflag:s16] =	ssyncset.done $0x0  }
0x64: {  	s0 =	smov.u32 s5;
	[sflag:s16] =	ssyncadd.s32 $0xFFFFD900  }
0x65: {  	_ = 	snop  }
.LBB2_8:
0x66: {  	_ =	sfence.sel $0x180000  }
0x67: {  	[bflag:$0x0] =	sbarrier.arrive $0xFFFF  }
0x68: {  	_ =	strace $0x9000004A  }
0x69: {  	[bflag:$0x2] =	sbarrier.arrive $0xFFFF  }
0x6a: {  	s0 =	rddreg [dreg:$0x4]  }
0x6b: {  	s0 =	sadd.s32 @!p1 $0x100000, s0  }
0x6c: {  	[sflag:s0] =	ssyncadd.tile.s32 @!p1 $0x1;
	_ =	shalt  }
.Lfunc_end2:
_tile_overlayer_lowered:
.L_overlay_start_2:
0x6d: {  	(tag) =	ssettag $0x2  }
0x6e: {  	s0 =	rddreg [dreg:$0x0];
	s2 =	stileid.u32  }
0x6f: {  	s1 =	rddreg [dreg:$0x1];
	p0 =	sne.s32 s2, $0x0  }
0x70: {  	s3 =	rddreg [dreg:$0x2];
	[bflag:$0x3] =	sbarrier.arrive $0xFFFF;
	s2 =	simm.s32 @!p0 $0x1C01  }
0x71: {  	[timem:s3], [sflag:s2] =	dma.local @!p0 [hbm:s0], s1  }
0x72: {  	s0 =	simm.s32 @!p0 $0x1  }
0x73: {  	_ =	swait.ge @!p0 [sflag:s0], s1  }
0x74: {  	s1 =	ssub.s32 @!p0 $0x0, s1;
	[sflag:s0] =	ssyncset.done @!p0 $0x0  }
0x75: {  	[sflag:s0] =	ssyncadd.s32 @!p0 s1  }
0x76: {  	[bflag:$0x3] =	sbarrier.arrive $0xFFFF  }
0x77: {  	_ =	shalt  }

// kernel: kernel.8.cloned.1.call-start
scs
__scs_entry_jumppad:
0x0: {  	(pc) =	sbr.rel $0x88, $3  }
0x1: {  	(tag) =	ssettag $0x0;
	lr =	simm.s32 $0x1  }
0x2: {  	[smem:$0x3F94] =	sst lr;
	_ =	strace $0xD0000000  }
0x3: {  	_ = 	snop  }
0x4: {  	_ = 	snop  }
0x5: {  	_ = 	snop  }
0x6: {  	_ = 	snop  }
0x7: {  	_ = 	snop  }
__scs_overlays_trampoline_lowered:
0x8: {  	[smem:$0x3FA3] =	sst s0  }
0x9: {  	[smem:$0x3FA4] =	sst s1  }
0xa: {  	[smem:$0x3FA5] =	sst s2  }
0xb: {  	[smem:$0x3FA6] =	sst s3  }
0xc: {  	[smem:$0x3FA7] =	sst s4  }
0xd: {  	[smem:$0x3FA8] =	sst s5  }
0xe: {  	[smem:$0x3FA9] =	sst s6  }
0xf: {  	[smem:$0x3FAA] =	sst s7  }
0x10: {  	[smem:$0x3FAB] =	sst s8  }
0x11: {  	[smem:$0x3FAC] =	sst s9;
	s0 =	simm.s32 @!p0 $0x0  }
0x12: {  	s1 =	sld [smem:$0x3F92];
	s0 =	simm.s32 @p0 $0x1  }
0x13: {  	[smem:$0x3FAD] =	sst s0;
	s0 =	simm.s32 @!p1 $0x0  }
0x14: {  	s2 =	sld [smem:$0x3F91];
	s0 =	simm.s32 @p1 $0x1  }
0x15: {  	[smem:$0x3FAE] =	sst s0;
	s0 =	simm.s32 @!p2 $0x0  }
0x16: {  	s3 =	sld [smem:$0x3FDB];
	s0 =	simm.s32 @p2 $0x1  }
0x17: {  	s4 =	simm.s32 $0x1BF5;
	[smem:$0x3FB0] =	sst s0  }
0x18: {  	s0 =	sld [smem:$0x3F93];
	_ =	swait.ge [sflag:s4], $0x0  }
0x19: {  	s7 =	sld [smem:$0x3F94]  }
0x1a: {  	s8 =	sadd.s32 $0xFFFFE003, lr  }
0x1b: {  	s9 =	sadd.s32 $0xFFFFFEF7, lr;
	s5 =	simm.s32 $0xFFFFFFFF;
	p2 =	slt.u32 s8, $0xFFFFF086  }
0x1c: {  	p1 =	slt.u32 s9, $0xF7A;
	s5 =	simm.s32 @!p2 $0x0  }
0x1d: {  	s5 =	simm.s32 @p1 $0x1;
	p0 =	seq.s32 s7, s2  }
0x1e: {  	s7 =	smul.u32 @!p0 $0xF7A, s2;
	p2 =	seq.s32 @!p0 s5, $0x0  }
0x1f: {  	s9 =	smul.u32 $0xF7A, s1;
	s8 =	simm.s32 @!p0 $0x1BF5;
	p2 =	por !p2, p0  }
0x20: {  	[sflag:s8] =	ssyncset.s32 @!p0 $0xFFFFF086;
	s6 =	sadd.s32 @!p0 s3, s7;
	s7 =	simm.s32 @!p0 $0x108  }
0x21: {  	s3 =	sadd.s32 s3, s9;
	s6 =	sadd.s32 @!p0 $0x88, s6;
	s7 =	simm.s32 @p2 $0x1082  }
0x22: {  	[simem:s7], [sflag:s8] =	dma.local @!p0 [hbm:s6], $0xF7A  }
0x23: {  	s9 =	sor.u32 $0xD0000000, s2;
	s6 =	simm.s32 $0x108;
	_ =	swait.ge @!p0 [sflag:s8], $0x0  }
0x24: {  	s3 =	sadd.s32 $0x88, s3;
	s6 =	simm.s32 @!p1 $0x1082;
	[sflag:s4] =	ssyncset.s32 $0xFFFFF086  }
0x25: {  	[simem:s6], [sflag:s4] =	dma.local [hbm:s3], $0xF7A  }
0x26: {  	[smem:$0x3F94] =	sst s1;
	(tag) =	ssettag s2;
	_ =	strace s9  }
0x27: {  	s1 =	sld [smem:$0x3FA4]  }
0x28: {  	s2 =	sld [smem:$0x3FA5]  }
0x29: {  	s4 =	sld [smem:$0x3FA7]  }
0x2a: {  	p0 =	seq.s32 s5, $0x0;
	s5 =	sld [smem:$0x3FA8]  }
0x2b: {  	s6 =	sld [smem:$0x3FA9]  }
0x2c: {  	s7 =	sld [smem:$0x3FAA]  }
0x2d: {  	s3 =	simm.s32 $0x108;
	s8 =	sld [smem:$0x3FAB]  }
0x2e: {  	s3 =	simm.s32 @!p0 $0x1082;
	s9 =	sld [smem:$0x3FAC]  }
0x2f: {  	lr =	sadd.s32 s0, s3;
	s0 =	sld [smem:$0x3FA3]  }
0x30: {  	s3 =	sld [smem:$0x3FA6]  }
0x31: {  	[smem:$0x3FAF] =	sst s10  }
0x32: {  	s10 =	sld [smem:$0x3FAD];
	_ =	sdelay $0x3  }
0x33: {  	p0 =	seq.s32 s10, $0x1;
	s10 =	sld [smem:$0x3FAF];
	_ =	sdelay $0x3  }
0x34: {  	[smem:$0x3FAF] =	sst s10  }
0x35: {  	s10 =	sld [smem:$0x3FAE];
	_ =	sdelay $0x3  }
0x36: {  	p1 =	seq.s32 s10, $0x1;
	s10 =	sld [smem:$0x3FAF];
	_ =	sdelay $0x3  }
0x37: {  	[smem:$0x3FAF] =	sst s10  }
0x38: {  	s10 =	sld [smem:$0x3FB0]  }
0x39: {  	_ = 	snop;
	(pc) =	sbr.ind lr, $3  }
0x3a: {  	_ = 	snop  }
0x3b: {  	_ = 	snop  }
0x3c: {  	p2 =	seq.s32 s10, $0x1;
	s10 =	sld [smem:$0x3FAF]  }
0x3d: {  	_ =	shalt  }
0x3e: {  	_ =	shalt  }
0x3f: {  	_ =	shalt  }
0x40: {  	_ =	shalt  }
0x41: {  	_ =	shalt  }
0x42: {  	_ =	shalt  }
0x43: {  	_ =	shalt  }
0x44: {  	_ =	shalt  }
0x45: {  	_ =	shalt  }
0x46: {  	_ =	shalt  }
0x47: {  	_ =	shalt  }
0x48: {  	_ =	shalt  }
0x49: {  	_ =	shalt  }
0x4a: {  	_ =	shalt  }
0x4b: {  	_ =	shalt  }
0x4c: {  	_ =	shalt  }
0x4d: {  	_ =	shalt  }
0x4e: {  	_ =	shalt  }
0x4f: {  	_ =	shalt  }
0x50: {  	_ =	shalt  }
0x51: {  	_ =	shalt  }
0x52: {  	_ =	shalt  }
0x53: {  	_ =	shalt  }
0x54: {  	_ =	shalt  }
0x55: {  	_ =	shalt  }
0x56: {  	_ =	shalt  }
0x57: {  	_ =	shalt  }
0x58: {  	_ =	shalt  }
0x59: {  	_ =	shalt  }
0x5a: {  	_ =	shalt  }
0x5b: {  	_ =	shalt  }
0x5c: {  	_ =	shalt  }
0x5d: {  	_ =	shalt  }
0x5e: {  	_ =	shalt  }
0x5f: {  	_ =	shalt  }
0x60: {  	_ =	shalt  }
0x61: {  	_ =	shalt  }
0x62: {  	_ =	shalt  }
0x63: {  	_ =	shalt  }
0x64: {  	_ =	shalt  }
0x65: {  	_ =	shalt  }
0x66: {  	_ =	shalt  }
0x67: {  	_ =	shalt  }
0x68: {  	_ =	shalt  }
0x69: {  	_ =	shalt  }
0x6a: {  	_ =	shalt  }
0x6b: {  	_ =	shalt  }
0x6c: {  	_ =	shalt  }
0x6d: {  	_ =	shalt  }
0x6e: {  	_ =	shalt  }
0x6f: {  	_ =	shalt  }
0x70: {  	_ =	shalt  }
0x71: {  	_ =	shalt  }
0x72: {  	_ =	shalt  }
0x73: {  	_ =	shalt  }
0x74: {  	_ =	shalt  }
0x75: {  	_ =	shalt  }
0x76: {  	_ =	shalt  }
0x77: {  	_ =	shalt  }
0x78: {  	_ =	shalt  }
0x79: {  	_ =	shalt  }
0x7a: {  	_ =	shalt  }
0x7b: {  	_ =	shalt  }
0x7c: {  	_ =	shalt  }
0x7d: {  	_ =	shalt  }
0x7e: {  	_ =	shalt  }
0x7f: {  	_ =	shalt  }
0x80: {  	_ =	shalt  }
0x81: {  	_ =	shalt  }
0x82: {  	_ =	shalt  }
0x83: {  	_ =	shalt  }
0x84: {  	_ =	shalt  }
0x85: {  	_ =	shalt  }
0x86: {  	_ =	shalt  }
0x87: {  	_ =	shalt  }
.Lfunc_end0:
.L_simem_size_0:
called_computation_lowered:
.L_overlay_start_0:
0x88: {  	s2 =	sld [smem:$0x3FD9]  }
0x89: {  	s3 =	sld [smem:$0x3FFE];
	_ =	sdelay $0x1  }
0x8a: {  	s1 =	srdreg.scid  }
0x8b: {  	s0 =	sand.u32 $0x1, s1  }
0x8c: {  	s14 =	sshll.u32 s0, $0xA;
	s2 =	sadd.s32 s3, s2  }
0x8d: {  	s2 =	sadd.s32 s2, s14  }
0x8e: {  	[smem:$0x3FBB] =	sst s2  }
0x8f: {  	_ = 	snop  }
0x90: {  	s2 =	sld [smem:$0x3FD0];
	_ =	sdelay $0x2  }
0x91: {  	s15 =	simm.s32 $0xA;
	s4 =	simm.s32 $0x10  }
0x92: {  	[smem:s4], [sflag:s15] =	dma.local [hbm:s2], $0x1  }
0x93: {  	_ =	swait.eq [sflag:s15], $0x1  }
0x94: {  	[sflag:s15] =	ssyncset.done $0x0  }
0x95: {  	s16 =	sld [smem:$0x10];
	[sflag:s15] =	ssyncadd.s32 $0xFFFFFFFF  }
0x96: {  	s17 =	sld [smem:$0x11];
	(tm) =	ssettm $0x1  }
0x97: {  	s18 =	sld [smem:$0x3FFB];
	_ =	sdelay $0x3  }
0x98: {  	_ =	strace s18  }
0x99: {  	s4 =	sld [smem:$0x3FFC];
	_ =	sdelay $0x3  }
0x9a: {  	_ =	strace s4  }
0x9b: {  	s4 =	sld [smem:$0x3FFD];
	_ =	sdelay $0x3  }
0x9c: {  	_ =	strace s4  }
0x9d: {  	_ =	strace $0x8FFFFFFF  }
0x9e: {  	s19 =	sld [smem:$0x3FDB];
	_ =	sdelay $0x1  }
0x9f: {  	s5 =	simm.s32 $_scs_section_size  }
0xa0: {  	s6 =	simm.s32 $_size__tile_overlayer_lowered;
	s7 =	simm.s32 $_tile_overlayer_lowered  }
0xa1: {  	s22 =	simm.s32 $0x1BFF;
	s21 =	sshll.u32 s7, $0x1;
	s4 =	sadd.s32 s5, s19  }
0xa2: {  	s8 =	simm.s32 $0x0;
	s20 =	sshll.u32 s6, $0x1;
	s6 =	sadd.s32 s21, s4  }
0xa3: {  	[timem:s8], [sflag:s22] =	dma.local [hbm:s6], s20  }
0xa4: {  	_ =	swait.ge [sflag:s22], s20  }
0xa5: {  	s5 =	ssub.s32 $0x0, s20;
	[sflag:s22] =	ssyncset.done $0x0  }
0xa6: {  	[sflag:s22] =	ssyncadd.s32 s5;
	_ =	sdelay $0x1  }
0xa7: {  	s23 =	simm.s32 $0x1B8B  }
0xa8: {  	_ =	swait.ge [sflag:s23], $0x1  }
0xa9: {  	[sflag:s23] =	ssyncset.done $0x0  }
0xaa: {  	s25 =	simm.s32 $0x1B8E;
	s24 =	sld [smem:$0x3FFE];
	[sflag:s23] =	ssyncadd.s32 $0xFFFFFFFF  }
0xab: {  	s26 =	simm.s32 $execute0_lowered;
	[smem:$0x3FD2] =	sst s25  }
0xac: {  	s6 =	sshll.u32 s26, $0x1;
	_ =	strace $0x80000046;
	[dreg:$0x1] =	wrdreg $0xFFFFFFFF  }
0xad: {  	s28 =	simm.s32 $_size_execute0_lowered;
	s4 =	sadd.s32 s4, s6;
	[dreg:$0x0] =	wrdreg $0x0  }
0xae: {  	s6 =	sshll.u32 s28, $0x1;
	[dreg:$0x2] =	wrdreg s4  }
0xaf: {  	[dreg:$0x3] =	wrdreg s6  }
0xb0: {  	[dreg:$0x4] =	wrdreg $0xC0  }
0xb1: {  	_ =	task [dreg:s8], $0x5FFFF  }
0xb2: {  	[dreg:$0x1] =	wrdreg $0xFFFFFFFF  }
0xb3: {  	[dreg:$0x0] =	wrdreg $0x60  }
0xb4: {  	[dreg:$0x2] =	wrdreg s16  }
0xb5: {  	[dreg:$0x3] =	wrdreg s17  }
0xb6: {  	[dreg:$0x4] =	wrdreg s24  }
0xb7: {  	[dreg:$0x5] =	wrdreg $0x9  }
0xb8: {  	_ =	task.clear_ibuf [dreg:s8], $0x6FFFF;
	_ =	strace $0x90000046  }
0xb9: {  	s29 =	simm.s32 $0x9;
	_ =	strace $0x80000048  }
0xba: {  	_ =	swait.ge [sflag:s29], $0x1  }
0xbb: {  	[sflag:s29] =	ssyncadd.s32 $0xFFFFFFFF  }
0xbc: {  	_ =	strace $0x90000048  }
0xbd: {  	_ =	sfence  }
0xbe: {  	s30 =	sld [smem:$0x0];
	_ =	sdelay $0x2  }
0xbf: {  	s31 =	sshll.u32 s1, $0xD;
	s1 =	sshrl.u32 s1, $0x2  }
0xc0: {  	s3 =	sand.u32 $0x4000, s31;
	s1 =	sadd.s32 s1, s30  }
0xc1: {  	s0 =	sor.u32 s3, s0;
	s1 =	sshll.u32 s1, $0x11  }
0xc2: {  	s0 =	sor.u32 s1, s0  }
0xc3: {  	s0 =	sadd.s32 $0x8F2B, s0  }
0xc4: {  	[sflag:s0] =	ssyncadd.remote.s32 $0x1  }
0xc5: {  	_ =	sfence.sel $0xFFFF  }
0xc6: {  	[dreg:$0x0] =	wrdreg $0xFFFFFFFF;
	(pc) =	sbr.abs _section_cstart, $3  }
0xc7: {  	[dreg:$0x1] =	wrdreg $0xFFFFFFFF  }
0xc8: {  	_ =	task.clear_ibuf [dreg:s8], $0x2FFFF;
	_ =	strace $0x9FFFFFFF  }
0xc9: {  	(tm) =	ssettm $0x7FFFFFFF  }
tec
execute0_lowered:
.L_overlay_start_1:
0x0: {  	(tag) =	ssettag $0x1  }
0x1: {  	s1 =	rddreg [dreg:$0x0]  }
0x2: {  	s2 =	srdreg.scid;
	s3 =	rddreg [dreg:$0x1]  }
0x3: {  	s0 =	stileid.u32;
	s6 =	rddreg [dreg:$0x2]  }
0x4: {  	s4 =	simm.s32 $0x0;
	s14 =	simm.s32 $0x80;
	s15 =	simm.s32 $0x4F00  }
0x5: {  	s16 =	simm.s32 $0x8F00;
	s17 =	simm.s32 $0x4;
	s18 =	simm.s32 $0x10  }
0x6: {  	s20 =	simm.s32 $0x1;
	s22 =	simm.s32 $0x2;
	s23 =	simm.s32 $0x3  }
0x7: {  	s24 =	simm.s32 $0xCF00;
	s25 =	simm.s32 $0x10F00;
	s26 =	simm.s32 $0x0  }
0x8: {  	s5 =	sand.u32 $0x1, s2;
	s28 =	sshll.u32 s0, $0x1;
	s10 =	smul.u32 $0x271000, s0  }
0x9: {  	[smem:$0x7FF] =	sst s4;
	s7 =	sor.u32 s5, s28;
	s13 =	smul.u32 $0x138800, s5  }
0xa: {  	s11 =	sadd.s32 $0x17600, s6;
	s9 =	ssub.s32 $0x2, s5;
	s8 =	smul.u32 $0x4E2, s7  }
0xb: {  	s12 =	sadd.s32 $0x4F9600, s6;
	s7 =	smul.u32 $0x138800, s7;
	s29 =	sshrl.u32 s9, $0x1  }
0xc: {  	_ =	strace $0x80000047;
	s9 =	ssub.s32 s9, s29;
	s10 =	sadd.s32 s13, s10  }
.Ltmp0:
0xd: {  	s8 =	sadd.s32 s8, s6;
	s7 =	sshrl.u32 s7, $0x3;
	(pc) =	sbr.rel .LBB2_1-.Ltmp0, $4  }
0xe: {  	s13 =	sshrl.u32 s10, $0x3;
	s9 =	smax.u32 s9, $0x1;
	s30 =	sadd.s32 $0x3A00, s8  }
0xf: {  	s6 =	sadd.s32 $0xD800, s8;
	s31 =	sadd.s32 $0x27000, s7;
	s10 =	sadd.s32 s13, s12  }
0x10: {  	[dreg:$0x4] =	wrdreg s30;
	s7 =	sadd.s32 s11, s31;
	s8 =	sadd.s32 s12, s31  }
0x11: {  	s11 =	sadd.s32 s13, s11;
	s12 =	simm.s32 $0x5;
	s13 =	simm.s32 $0x2780  }
.LBB2_5:
0x12: {  	_ =	swait.ge [sflag:s17], $0x4000  }
0x13: {  	[sflag:s17] =	ssyncset.done $0x0  }
0x14: {  	[sflag:s17] =	ssyncadd.s32 $0xFFFFC000  }
0x15: {  	_ =	swait.ge [sflag:s17], $0x4000  }
0x16: {  	[sflag:s17] =	ssyncset.done $0x0  }
0x17: {  	s0 =	simm.s32 $0x2700;
	[sflag:s17] =	ssyncadd.s32 $0xFFFFC000  }
0x18: {  	[tilespmem:s15], [sflag:$0x1] =	stream.indirect.gather [hbm4b:s1+s18], $0x80, s0, s18, $0xb8;
	[tilespmem:$0x14F00] =	vst v63  }
0x19: {  	_ =	swait.ge [sflag:s20], $0x800  }
0x1a: {  	[sflag:s20] =	ssyncset.done $0x0  }
0x1b: {  	s31 =	simm.s32 $0x4E80;
	[sflag:s20] =	ssyncadd.s32 $0xFFFFF800  }
0x1c: {  	[tilespmem:s16], [sflag:$0x1] =	stream.indirect.gather [hbm4b:s3+s18], $0x80, s31, s18, $0xb8;
	[tilespmem:$0x14F00] =	vst v63  }
0x1d: {  	_ =	swait.ge [sflag:s20], $0x800  }
0x1e: {  	[sflag:s20] =	ssyncset.done $0x0  }
0x1f: {  	[sflag:s20] =	ssyncadd.s32 $0xFFFFF800  }
0x20: {  	[hbm4b:s7+s4] =	stream.linear.scatter [tilespmem:s15], [sflag:$0x5], $0x800, $0x38;
	[tilespmem:$0x14F00] =	vst v63  }
0x21: {  	s26 =	sadd.s32 $0x1, s26;
	_ =	swait.ge [sflag:s12], $0x800  }
0x22: {  	p0 =	sne.s32 s26, s9;
	[sflag:s12] =	ssyncset.done $0x0  }
.Ltmp1:
0x23: {  	[sflag:s12] =	ssyncadd.s32 $0xFFFFF800;
	(pc) =	sbr.rel @!p0 .LBB2_6-.Ltmp1, $4  }
0x24: {  	[hbm4b:s8+s4] =	stream.linear.scatter [tilespmem:s16], [sflag:$0x5], $0x800, $0x38;
	[tilespmem:$0x14F00] =	vst v63  }
0x25: {  	_ =	swait.ge [sflag:s12], $0x800  }
0x26: {  	[sflag:s12] =	ssyncset.done $0x0  }
0x27: {  	[sflag:s12] =	ssyncadd.s32 $0xFFFFF800  }
.LBB2_1:
0x28: {  	s0 =	rddreg [dreg:$0x4]  }
0x29: {  	[tilespmem:s4], [sflag:$0x5] =	stream.linear.gather [hbm4b:s0+s4], $0x2710, $0x38;
	[tilespmem:$0x14F00] =	vst v63  }
0x2a: {  	_ =	swait.ge [sflag:s12], $0x2710  }
0x2b: {  	[sflag:s12] =	ssyncset.done $0x0  }
0x2c: {  	[sflag:s12] =	ssyncadd.s32 $0xFFFFD8F0  }
0x2d: {  	[tilespmem:s13], [sflag:$0x5] =	stream.linear.gather [hbm4b:s6+s4], $0x2710, $0x38;
	[tilespmem:$0x14F00] =	vst v63  }
0x2e: {  	_ =	swait.ge [sflag:s12], $0x2710  }
.Ltmp2:
0x2f: {  	[sflag:s12] =	ssyncset.done $0x0;
	(pc) =	sbr.rel .LBB2_2-.Ltmp2, $4  }
0x30: {  	s28 =	smov.u32 s11;
	[sflag:s12] =	ssyncadd.s32 $0xFFFFD8F0  }
0x31: {  	[tilespmem:s15], [sflag:$0x1] =	stream.indirect.gather [hbm4b:s1+s14], $0x80, s4, s14, $0xb8;
	[tilespmem:$0x14F00] =	vst v63  }
0x32: {  	s29 =	smov.u32 s10;
	s30 =	simm.s32 $0x0;
	s31 =	simm.s32 $0x0  }
0x33: {  	[tilespmem:s16], [sflag:$0x1] =	stream.indirect.gather [hbm4b:s3+s14], $0x80, s13, s14, $0xb8;
	[tilespmem:$0x14F00] =	vst v63  }
.LBB2_4:
0x34: {  	s30 =	sadd.s32 $0x200, s30  }
0x35: {  	p0 =	sne.s32 s30, $0x9C00  }
.Ltmp3:
0x36: {  	_ = 	snop;
	(pc) =	sbr.rel @!p0 .LBB2_5-.Ltmp3, $2  }
0x37: {  	_ =	sdelay $0x2  }
0x38: {  	s31 =	sadd.s32 $0x1, s31;
	s29 =	sadd.s32 $0x800, s29;
	s28 =	sadd.s32 $0x800, s28  }
.LBB2_2:
0x39: {  	s2 =	sand.u32 $0x1, s31  }
0x3a: {  	p0 =	seq.s32 s2, $0x1  }
0x3b: {  	s0 =	simm.s32 @!p0 $0x1  }
0x3c: {  	_ =	swait.ge @!p0 [sflag:s0], $0x4000  }
0x3d: {  	[sflag:s0] =	ssyncset.done @!p0 $0x0  }
0x3e: {  	[sflag:s0] =	ssyncadd.s32 @!p0 $0xFFFFC000  }
0x3f: {  	p1 =	seq.s32 @!p0 s30, $0x0;
	_ =	swait.ge @!p0 [sflag:s0], $0x4000  }
0x40: {  	p1 =	por p1, p0;
	[sflag:s0] =	ssyncset.done @!p0 $0x0  }
0x41: {  	[sflag:s0] =	ssyncadd.s32 @!p0 $0xFFFFC000;
	s0 =	simm.s32 @!p1 $0x4  }
0x42: {  	_ =	swait.ge @!p1 [sflag:s0], $0x4000  }
0x43: {  	[sflag:s0] =	ssyncset.done @!p1 $0x0  }
0x44: {  	[sflag:s0] =	ssyncadd.s32 @!p1 $0xFFFFC000  }
0x45: {  	_ =	swait.ge @!p1 [sflag:s0], $0x4000  }
0x46: {  	[sflag:s0] =	ssyncset.done @!p1 $0x0  }
0x47: {  	[sflag:s0] =	ssyncadd.s32 @!p1 $0xFFFFC000;
	s0 =	sshra.s32 @!p0 s30, $0x2  }
0x48: {  	s21 =	simm.s32 @!p0 $0x80;
	s5 =	simm.s32 @!p0 $0xCF00;
	s19 =	sadd.s32 @!p0 $0x80, s0  }
0x49: {  	[tilespmem:s5], [sflag:$0x2] =	stream.indirect.gather @!p0 [hbm4b:s1+s21], $0x80, s19, s21, $0xb8;
	[tilespmem:$0x14F00] =	vst v63  }
0x4a: {  	s0 =	sadd.s32 @!p0 $0x2800, s0;
	s5 =	simm.s32 @!p0 $0x10F00  }
0x4b: {  	[tilespmem:s5], [sflag:$0x2] =	stream.indirect.gather @!p0 [hbm4b:s3+s21], $0x80, s0, s21, $0xb8;
	[tilespmem:$0x14F00] =	vst v63  }
0x4c: {  	s0 =	simm.s32 @!p0 $0x0;
	s5 =	simm.s32 @!p0 $0x4F00  }
0x4d: {  	[hbm4b:s28+s0] =	stream.linear.scatter @!p0 [tilespmem:s5], [sflag:$0x3], $0x4000, $0x38;
	[tilespmem:$0x14F00] =	vst v63  }
0x4e: {  	p1 =	seq.s32 @!p0 s2, $0x0;
	s5 =	simm.s32 @!p0 $0x8F00  }
0x4f: {  	[hbm4b:s29+s0] =	stream.linear.scatter @!p0 [tilespmem:s5], [sflag:$0x3], $0x4000, $0x38;
	[tilespmem:$0x14F00] =	vst v63  }
0x50: {  	p0 =	por p0, !p1  }
.Ltmp4:
0x51: {  	_ = 	snop;
	(pc) =	sbr.rel @!p0 .LBB2_4-.Ltmp4, $1  }
0x52: {  	_ =	sdelay $0x3  }
0x53: {  	_ =	swait.ge [sflag:s22], $0x4000  }
0x54: {  	[sflag:s22] =	ssyncset.done $0x0  }
0x55: {  	[sflag:s22] =	ssyncadd.s32 $0xFFFFC000  }
0x56: {  	_ =	swait.ge [sflag:s22], $0x4000  }
0x57: {  	[sflag:s22] =	ssyncset.done $0x0  }
0x58: {  	[sflag:s22] =	ssyncadd.s32 $0xFFFFC000  }
0x59: {  	_ =	swait.ge [sflag:s23], $0x4000  }
0x5a: {  	[sflag:s23] =	ssyncset.done $0x0  }
0x5b: {  	[sflag:s23] =	ssyncadd.s32 $0xFFFFC000  }
0x5c: {  	p0 =	seq.s32 s30, $0x9A00;
	_ =	swait.ge [sflag:s23], $0x4000  }
0x5d: {  	s0 =	sshra.s32 @!p0 s30, $0x2;
	s5 =	simm.s32 @!p0 $0x80;
	[sflag:s23] =	ssyncset.done $0x0  }
0x5e: {  	s19 =	simm.s32 @!p0 $0x4F00;
	s2 =	sadd.s32 @!p0 $0x80, s0;
	[sflag:s23] =	ssyncadd.s32 $0xFFFFC000  }
0x5f: {  	[tilespmem:s19], [sflag:$0x1] =	stream.indirect.gather @!p0 [hbm4b:s1+s5], $0x80, s2, s5, $0xb8;
	[tilespmem:$0x14F00] =	vst v63  }
0x60: {  	s0 =	sadd.s32 @!p0 $0x2800, s0;
	s2 =	simm.s32 @!p0 $0x8F00  }
0x61: {  	[tilespmem:s2], [sflag:$0x1] =	stream.indirect.gather @!p0 [hbm4b:s3+s5], $0x80, s0, s5, $0xb8;
	[tilespmem:$0x14F00] =	vst v63  }
.Ltmp5:
0x62: {  	_ = 	snop;
	(pc) =	sbr.rel .LBB2_4-.Ltmp5, $4  }
0x63: {  	_ = 	snop  }
0x64: {  	[hbm4b:s28+s4] =	stream.linear.scatter [tilespmem:s24], [sflag:$0x4], $0x4000, $0x38;
	[tilespmem:$0x14F00] =	vst v63  }
0x65: {  	_ = 	snop  }
0x66: {  	[hbm4b:s29+s4] =	stream.linear.scatter [tilespmem:s25], [sflag:$0x4], $0x4000, $0x38;
	[tilespmem:$0x14F00] =	vst v63  }
.LBB2_6:
0x67: {  	_ =	sfence.sel $0x180000  }
0x68: {  	[bflag:$0x0] =	sbarrier.arrive $0xFFFF  }
0x69: {  	_ =	strace $0x90000047  }
0x6a: {  	s0 =	stileid.u32;
	[bflag:$0x2] =	sbarrier.arrive $0xFFFF  }
0x6b: {  	p0 =	sne.s32 s0, $0x0;
	s0 =	rddreg [dreg:$0x3]  }
0x6c: {  	s0 =	sadd.s32 @!p0 $0x100000, s0  }
0x6d: {  	[sflag:s0] =	ssyncadd.tile.s32 @!p0 $0x1;
	_ =	shalt  }
.Lfunc_end2:
_tile_overlayer_lowered:
.L_overlay_start_2:
0x6e: {  	(tag) =	ssettag $0x2  }
0x6f: {  	s0 =	rddreg [dreg:$0x0];
	s2 =	stileid.u32  }
0x70: {  	s1 =	rddreg [dreg:$0x1];
	p0 =	sne.s32 s2, $0x0  }
0x71: {  	s3 =	rddreg [dreg:$0x2];
	[bflag:$0x3] =	sbarrier.arrive $0xFFFF;
	s2 =	simm.s32 @!p0 $0x1C05  }
0x72: {  	[timem:s3], [sflag:s2] =	dma.local @!p0 [hbm:s0], s1  }
0x73: {  	s0 =	simm.s32 @!p0 $0x5  }
0x74: {  	_ =	swait.ge @!p0 [sflag:s0], s1  }
0x75: {  	s1 =	ssub.s32 @!p0 $0x0, s1;
	[sflag:s0] =	ssyncset.done @!p0 $0x0  }
0x76: {  	[sflag:s0] =	ssyncadd.s32 @!p0 s1  }
0x77: {  	[bflag:$0x3] =	sbarrier.arrive $0xFFFF  }
0x78: {  	_ =	shalt  }

</sc_bundles>
